<compile_context>
chip_gen: v7x
topology: tpu7x:2x2x1
jax: 0.10.2.dev20260603
libtpu: 0.0.44.dev20260713+nightly
codegen_flags: <defaults>
</compile_context>

<pallas_src>
import functools

import jax
import jax.numpy as jnp
from jax import lax
from jax.experimental import pallas as pl
from jax.experimental.pallas import tpu as pltpu
from jax.experimental.pallas import tpu_sc as plsc

N = 50000
K = 64
NS = 16
NC = 2
CHUNK = 128
TILES = CHUNK // 16
ROWS_MAIN = 3128
ROWS_LAST = N - (NS - 1) * ROWS_MAIN
NCHUNKS = -(-ROWS_MAIN // CHUNK)


def _rsqrt_nr(q):
    i = plsc.bitcast(q, jnp.int32)
    i = jnp.int32(0x5F3759DF) - (i >> 1)
    y = plsc.bitcast(i, jnp.float32)
    for _ in range(3):
        y = y * (1.5 - 0.5 * q * y * y)
    return y


@functools.partial(
    pl.kernel,
    mesh=plsc.VectorSubcoreMesh(core_axis_name="c", subcore_axis_name="s"),
    out_type=jax.ShapeDtypeStruct((NC, NS, 2, 16), jnp.float32),
    compiler_params=pltpu.CompilerParams(needs_layout_passes=False),
    scratch_types=[
        pltpu.VMEM((CHUNK * K * 3,), jnp.float32),
        pltpu.VMEM((CHUNK * 3,), jnp.float32),
        pltpu.VMEM((CHUNK * 3,), jnp.float32),
        pltpu.VMEM((24 * 16,), jnp.float32),
        pltpu.VMEM((16,), jnp.float32),
        pltpu.VMEM((16,), jnp.float32),
    ],
)
def _sc_loss(params_hbm, sp_hbm, rp_hbm, rk_hbm, sk_hbm, rc_hbm, sc_hbm,
             out_hbm, patch_v, kpt_v, cor_v, par_v, sum_v, cnt_v):
    c = lax.axis_index("c")
    s = lax.axis_index("s")
    pltpu.sync_copy(params_hbm, par_v)
    iota = lax.iota(jnp.int32, 16)
    zero = jnp.zeros((16,), jnp.int32)

    def run_side(patch_hbm, kpt_hbm, cor_hbm, poff):
        P = [par_v[pl.ds((poff + j) * 16, 16)] for j in range(12)]
        base = s * ROWS_MAIN
        nrows = jnp.where(s == NS - 1, ROWS_LAST, ROWS_MAIN)
        end = base + nrows

        def chunk_body(ch, carry):
            acc_s, acc_c = carry
            row0 = base + ch * CHUNK
            row0c = jnp.minimum(row0, N - CHUNK)
            pltpu.sync_copy(patch_hbm.at[pl.ds(row0c * (K * 3), CHUNK * K * 3)],
                            patch_v)
            pltpu.sync_copy(kpt_hbm.at[pl.ds(row0c * 3, CHUNK * 3)], kpt_v)
            pltpu.sync_copy(cor_hbm.at[pl.ds(row0c * 3, CHUNK * 3)], cor_v)

            def tile_body(t, carry2):
                acc_s2, acc_c2 = carry2
                rloc = t * 16 + iota
                gid = row0c + rloc
                r3 = rloc * 3
                kx = plsc.load_gather(kpt_v, [r3])
                ky = plsc.load_gather(kpt_v, [r3 + 1])
                kz = plsc.load_gather(kpt_v, [r3 + 2])
                tx = P[0] * kx + P[1] * ky + P[2] * kz + P[3]
                ty = P[4] * kx + P[5] * ky + P[6] * kz + P[7]
                tz = P[8] * kx + P[9] * ky + P[10] * kz + P[11]
                rp = rloc * (K * 3)

                def k_body(kk, mv):
                    pbase = rp + kk * 3
                    px = plsc.load_gather(patch_v, [pbase])
                    py = plsc.load_gather(patch_v, [pbase + 1])
                    pz = plsc.load_gather(patch_v, [pbase + 2])
                    dx = px - tx
                    dy = py - ty
                    dz = pz - tz
                    return jnp.minimum(mv, dx * dx + dy * dy + dz * dz)

                minv = lax.fori_loop(0, K, k_body,
                                     jnp.full((16,), 1e30, jnp.float32))
                cx = plsc.load_gather(cor_v, [r3])
                cy = plsc.load_gather(cor_v, [r3 + 1])
                cz = plsc.load_gather(cor_v, [r3 + 2])
                dx = cx - tx
                dy = cy - ty
                dz = cz - tz
                q = dx * dx + dy * dy + dz * dz
                lossv = q * _rsqrt_nr(q)
                m = (gid >= row0) & (gid < end) & (minv < 1.0)
                return (acc_s2 + jnp.where(m, lossv, 0.0),
                        acc_c2 + jnp.where(m, 1.0, 0.0))

            return lax.fori_loop(0, TILES, tile_body, (acc_s, acc_c))

        acc_s, acc_c = lax.fori_loop(
            0, NCHUNKS, chunk_body,
            (jnp.zeros((16,), jnp.float32), jnp.zeros((16,), jnp.float32)))
        sum_v[...] = acc_s
        cnt_v[...] = acc_c
        pltpu.sync_copy(sum_v, out_hbm.at[c, s, 0])
        pltpu.sync_copy(cnt_v, out_hbm.at[c, s, 1])

    @pl.when(c == 0)
    def _():
        run_side(sp_hbm, rk_hbm, rc_hbm, 0)

    @pl.when(c == 1)
    def _():
        run_side(rp_hbm, sk_hbm, sc_hbm, 12)


def kernel(gt_transform, ref_kpts, src_kpts, src_patch_corr_kpts,
           ref_patch_corr_kpts, ref_corres, src_corres):
    inv_T = jnp.linalg.inv(gt_transform)

    def pvec(M):
        return jnp.concatenate(
            [M[0, :4], M[1, :4], M[2, :4]])

    params = jnp.concatenate([pvec(inv_T), pvec(gt_transform)])
    params = jnp.repeat(params[:, None], 16, axis=1).reshape(-1)
    out = _sc_loss(params,
                   src_patch_corr_kpts.reshape(-1),
                   ref_patch_corr_kpts.reshape(-1),
                   ref_kpts.reshape(-1), src_kpts.reshape(-1),
                   ref_corres.reshape(-1), src_corres.reshape(-1))
    sums = out[:, :, 0, :].sum(axis=(1, 2))
    cnts = out[:, :, 1, :].sum(axis=(1, 2))
    means = sums / cnts
    return (means[0] + means[1]) / 2.0

# --- scband reference (transcript-rebuilt; emitter-appended) ---
"""Pipeline reference for scband-correspondence-loss-77214922047601 (READ-ONLY COPY).

The authoritative reference and input builder live on the scoring server;
editing this copy changes nothing except your own understanding.
"""

import jax, jax.numpy as jnp
import numpy as np

POINT_TO_PATCH_THRESHOLD = 1.0
N = 50000
K = 64


def apply_transform(points, transform):
    # points: [N, 3], transform: [4, 4] rigid SE(3)
    R = transform[:3, :3]
    t = transform[:3, 3]
    return points @ R.T + t


def setup_inputs(seed: int = 0) -> dict:
    key = jax.random.key(seed)
    ks = jax.random.split(key, 6)
    # Build a valid SE(3) ground-truth transform (invertible rigid motion)
    theta = 0.3
    c, s = np.cos(theta), np.sin(theta)
    T = np.eye(4, dtype=np.float32)
    T[:3, :3] = np.array([[c, -s, 0.0], [s, c, 0.0], [0.0, 0.0, 1.0]], dtype=np.float32)
    T[:3, 3] = np.array([0.1, -0.2, 0.05], dtype=np.float32)
    gt_transform = jnp.asarray(T)
    ref_kpts = jax.random.normal(ks[0], (N, 3), dtype=jnp.float32)
    src_kpts = jax.random.normal(ks[1], (N, 3), dtype=jnp.float32)
    src_patch_corr_kpts = jax.random.normal(ks[2], (N, K, 3), dtype=jnp.float32)
    ref_patch_corr_kpts = jax.random.normal(ks[3], (N, K, 3), dtype=jnp.float32)
    ref_corres = jax.random.normal(ks[4], (N, 3), dtype=jnp.float32)
    src_corres = jax.random.normal(ks[5], (N, 3), dtype=jnp.float32)
    return {
        'gt_transform': gt_transform,
        'ref_kpts': ref_kpts,
        'src_kpts': src_kpts,
        'src_patch_corr_kpts': src_patch_corr_kpts,
        'ref_patch_corr_kpts': ref_patch_corr_kpts,
        'ref_corres': ref_corres,
        'src_corres': src_corres,
    }


def reference(gt_transform, ref_kpts, src_kpts, src_patch_corr_kpts,
              ref_patch_corr_kpts, ref_corres, src_corres):
    # torch.no_grad() block -> stop_gradient
    inv_T = jnp.linalg.inv(gt_transform)
    ref_kpts_t = jax.lax.stop_gradient(apply_transform(ref_kpts, inv_T))
    dist_ref = jnp.linalg.norm(src_patch_corr_kpts - ref_kpts_t[:, None, :], axis=-1)
    ref_mask = jax.lax.stop_gradient(jnp.min(dist_ref, axis=-1) < POINT_TO_PATCH_THRESHOLD)

    src_kpts_t = jax.lax.stop_gradient(apply_transform(src_kpts, gt_transform))
    dist_src = jnp.linalg.norm(ref_patch_corr_kpts - src_kpts_t[:, None, :], axis=-1)
    src_mask = jax.lax.stop_gradient(jnp.min(dist_src, axis=-1) < POINT_TO_PATCH_THRESHOLD)

    loss_corr_ref = jnp.linalg.norm(ref_corres - ref_kpts_t, axis=-1)
    loss_corr_src = jnp.linalg.norm(src_corres - src_kpts_t, axis=-1)

    # index_select(mask.nonzero()).mean() == masked mean
    mean_ref = jnp.sum(jnp.where(ref_mask, loss_corr_ref, 0.0)) / jnp.sum(ref_mask.astype(jnp.float32))
    mean_src = jnp.sum(jnp.where(src_mask, loss_corr_src, 0.0)) / jnp.sum(src_mask.astype(jnp.float32))
    return (mean_ref + mean_src) / 2.0

if __name__ == "__main__":
    import jax
    _d = setup_inputs()
    print(jax.jit(kernel)(*tuple(_d.values())))

</pallas_src>

<mosaic_0001>
#map = affine_map<(d0, d1) -> (0)>
#map1 = affine_map<(d0, d1) -> (0, 0, 0, 0)>
module attributes {stable_mosaic.version = 14 : i64} {
  func.func @_sc_loss(%arg0: i32, %arg1: i32, %arg2: memref<384xf32, #tpu.memory_space<hbm>>, %arg3: memref<9600000xf32, #tpu.memory_space<hbm>>, %arg4: memref<9600000xf32, #tpu.memory_space<hbm>>, %arg5: memref<150000xf32, #tpu.memory_space<hbm>>, %arg6: memref<150000xf32, #tpu.memory_space<hbm>>, %arg7: memref<150000xf32, #tpu.memory_space<hbm>>, %arg8: memref<150000xf32, #tpu.memory_space<hbm>>, %arg9: memref<2x16x2x16xf32, #tpu.memory_space<hbm>>, %arg10: memref<24576xf32, #tpu.memory_space<vmem>>, %arg11: memref<384xf32, #tpu.memory_space<vmem>>, %arg12: memref<384xf32, #tpu.memory_space<vmem>>, %arg13: memref<384xf32, #tpu.memory_space<vmem>>, %arg14: memref<16xf32, #tpu.memory_space<vmem>>, %arg15: memref<16xf32, #tpu.memory_space<vmem>>) attributes {dimension_semantics = [#tpu.dimension_semantics<core_parallel>, #tpu.dimension_semantics<subcore_parallel>], iteration_bounds = array<i64: 2, 16>, scalar_prefetch = 0 : i64, scratch_operands = 6 : i64, tpu.core_type = #tpu.core_type<sc_vector_subcore>, window_params = [{transform_indices = #map}, {transform_indices = #map}, {transform_indices = #map}, {transform_indices = #map}, {transform_indices = #map}, {transform_indices = #map}, {transform_indices = #map}, {transform_indices = #map1}]} {
    "tpu.region"() ({
      %run_scoped3A = tpu.sem_alloc : memref<!tpu.dma_semaphore, #tpu.memory_space<semaphore_mem>>
      tpu.enqueue_dma source(%arg2 : memref<384xf32, #tpu.memory_space<hbm>>) target(%arg13 : memref<384xf32, #tpu.memory_space<vmem>>) target_semaphore(%run_scoped3A : memref<!tpu.dma_semaphore, #tpu.memory_space<semaphore_mem>>)
      tpu.wait_dma2 semaphore(%run_scoped3A : memref<!tpu.dma_semaphore, #tpu.memory_space<semaphore_mem>>) src(%arg2 : memref<384xf32, #tpu.memory_space<hbm>>) dst(%arg13 : memref<384xf32, #tpu.memory_space<vmem>>)
      tpu.yield
    }) : () -> ()
    %iota3A = tpu.iota {dimensions = array<i32: 0>} : vector<16xi32>
    %broadcast_in_dim3A = arith.constant 0 : i32
    %broadcast_in_dim3A_0 = vector.broadcast %broadcast_in_dim3A : i32 to vector<16xi32>
    %eq3A = arith.constant 0 : i32
    %eq3A_1 = arith.cmpi eq, %arg0, %eq3A : i32
    %convert_element_type3A = arith.extui %eq3A_1 : i1 to i32
    %cond3A = arith.constant 0 : i32
    %cond3A_2 = arith.cmpi ne, %convert_element_type3A, %cond3A : i32
    scf.if %cond3A_2 {
      %get3A = arith.constant 0 : index
      %get3A_8 = tpu.vector_load %arg13[%get3A] {strides = array<i32>} : memref<384xf32, #tpu.memory_space<vmem>>, vector<16xf32>,
      %get3A_9 = arith.constant 16 : index
      %get3A_10 = tpu.vector_load %arg13[%get3A_9] {strides = array<i32>} : memref<384xf32, #tpu.memory_space<vmem>>, vector<16xf32>,
      %get3A_11 = arith.constant 32 : index
      %get3A_12 = tpu.vector_load %arg13[%get3A_11] {strides = array<i32>} : memref<384xf32, #tpu.memory_space<vmem>>, vector<16xf32>,
      %get3A_13 = arith.constant 48 : index
      %get3A_14 = tpu.vector_load %arg13[%get3A_13] {strides = array<i32>} : memref<384xf32, #tpu.memory_space<vmem>>, vector<16xf32>,
      %get3A_15 = arith.constant 64 : index
      %get3A_16 = tpu.vector_load %arg13[%get3A_15] {strides = array<i32>} : memref<384xf32, #tpu.memory_space<vmem>>, vector<16xf32>,
      %get3A_17 = arith.constant 80 : index
      %get3A_18 = tpu.vector_load %arg13[%get3A_17] {strides = array<i32>} : memref<384xf32, #tpu.memory_space<vmem>>, vector<16xf32>,
      %get3A_19 = arith.constant 96 : index
      %get3A_20 = tpu.vector_load %arg13[%get3A_19] {strides = array<i32>} : memref<384xf32, #tpu.memory_space<vmem>>, vector<16xf32>,
      %get3A_21 = arith.constant 112 : index
      %get3A_22 = tpu.vector_load %arg13[%get3A_21] {strides = array<i32>} : memref<384xf32, #tpu.memory_space<vmem>>, vector<16xf32>,
      %get3A_23 = arith.constant 128 : index
      %get3A_24 = tpu.vector_load %arg13[%get3A_23] {strides = array<i32>} : memref<384xf32, #tpu.memory_space<vmem>>, vector<16xf32>,
      %get3A_25 = arith.constant 144 : index
      %get3A_26 = tpu.vector_load %arg13[%get3A_25] {strides = array<i32>} : memref<384xf32, #tpu.memory_space<vmem>>, vector<16xf32>,
      %get3A_27 = arith.constant 160 : index
      %get3A_28 = tpu.vector_load %arg13[%get3A_27] {strides = array<i32>} : memref<384xf32, #tpu.memory_space<vmem>>, vector<16xf32>,
      %get3A_29 = arith.constant 176 : index
      %get3A_30 = tpu.vector_load %arg13[%get3A_29] {strides = array<i32>} : memref<384xf32, #tpu.memory_space<vmem>>, vector<16xf32>,
      %mul3A = arith.constant 3128 : i32
      %mul3A_31 = arith.muli %arg1, %mul3A : i32
      %eq3A_32 = arith.constant 15 : i32
      %eq3A_33 = arith.cmpi eq, %arg1, %eq3A_32 : i32
      %jit3A = arith.constant 3080 : i32
      %jit3A_34 = arith.constant 3128 : i32
      %select_n3A = arith.select %eq3A_33, %jit3A, %jit3A_34 : i32
      %add3A = arith.addi %mul3A_31, %select_n3A : i32
      %broadcast_in_dim3A_35 = arith.constant 0.000000e+00 : f32
      %broadcast_in_dim3A_36 = vector.broadcast %broadcast_in_dim3A_35 : f32 to vector<16xf32>
      %broadcast_in_dim3A_37 = arith.constant 0.000000e+00 : f32
      %broadcast_in_dim3A_38 = vector.broadcast %broadcast_in_dim3A_37 : f32 to vector<16xf32>
      %scan3A = arith.constant 0 : i32
      %scan3A_39 = arith.constant 25 : i32
      %scan3A_40 = arith.addi %scan3A, %scan3A_39 : i32
      %scan3A_41 = arith.constant 1 : i32
      %scan3A_42:2 = scf.for %scan3A_48 = %scan3A to %scan3A_40 step %scan3A_41 iter_args(%scan3A_49 = %broadcast_in_dim3A_36, %scan3A_50 = %broadcast_in_dim3A_38) -> (vector<16xf32>, vector<16xf32>)  : i32 {
        %mul3A_51 = arith.constant 128 : i32
        %mul3A_52 = arith.muli %scan3A_48, %mul3A_51 : i32
        %add3A_53 = arith.addi %mul3A_31, %mul3A_52 : i32
        %min3A = arith.constant 49872 : i32
        %min3A_54 = arith.minsi %add3A_53, %min3A : i32
        %mul3A_55 = arith.constant 192 : i32
        %mul3A_56 = arith.muli %min3A_54, %mul3A_55 : i32
        "tpu.region"() ({
          %run_scoped3A_67 = tpu.sem_alloc : memref<!tpu.dma_semaphore, #tpu.memory_space<semaphore_mem>>
          %dma_start3A = tpu.memref_slice %arg3[%mul3A_56] : memref<9600000xf32, #tpu.memory_space<hbm>> -> memref<24576xf32, #tpu.memory_space<hbm>>
          %dma_start3A_68 = tpu.memref_slice %arg3[%mul3A_56] : memref<9600000xf32, #tpu.memory_space<hbm>> -> memref<24576xf32, #tpu.memory_space<hbm>>
          tpu.enqueue_dma source(%dma_start3A_68 : memref<24576xf32, #tpu.memory_space<hbm>>) target(%arg10 : memref<24576xf32, #tpu.memory_space<vmem>>) target_semaphore(%run_scoped3A_67 : memref<!tpu.dma_semaphore, #tpu.memory_space<semaphore_mem>>)
          %dma_wait3A = tpu.memref_slice %arg3[%mul3A_56] : memref<9600000xf32, #tpu.memory_space<hbm>> -> memref<24576xf32, #tpu.memory_space<hbm>>
          %dma_wait3A_69 = tpu.memref_slice %arg3[%mul3A_56] : memref<9600000xf32, #tpu.memory_space<hbm>> -> memref<24576xf32, #tpu.memory_space<hbm>>
          tpu.wait_dma2 semaphore(%run_scoped3A_67 : memref<!tpu.dma_semaphore, #tpu.memory_space<semaphore_mem>>) src(%dma_wait3A_69 : memref<24576xf32, #tpu.memory_space<hbm>>) dst(%arg10 : memref<24576xf32, #tpu.memory_space<vmem>>)
          tpu.yield
        }) : () -> ()
        %mul3A_57 = arith.constant 3 : i32
        %mul3A_58 = arith.muli %min3A_54, %mul3A_57 : i32
        "tpu.region"() ({
          %run_scoped3A_67 = tpu.sem_alloc : memref<!tpu.dma_semaphore, #tpu.memory_space<semaphore_mem>>
          %dma_start3A = tpu.memref_slice %arg5[%mul3A_58] : memref<150000xf32, #tpu.memory_space<hbm>> -> memref<384xf32, #tpu.memory_space<hbm>>
          %dma_start3A_68 = tpu.memref_slice %arg5[%mul3A_58] : memref<150000xf32, #tpu.memory_space<hbm>> -> memref<384xf32, #tpu.memory_space<hbm>>
          tpu.enqueue_dma source(%dma_start3A_68 : memref<384xf32, #tpu.memory_space<hbm>>) target(%arg11 : memref<384xf32, #tpu.memory_space<vmem>>) target_semaphore(%run_scoped3A_67 : memref<!tpu.dma_semaphore, #tpu.memory_space<semaphore_mem>>)
          %dma_wait3A = tpu.memref_slice %arg5[%mul3A_58] : memref<150000xf32, #tpu.memory_space<hbm>> -> memref<384xf32, #tpu.memory_space<hbm>>
          %dma_wait3A_69 = tpu.memref_slice %arg5[%mul3A_58] : memref<150000xf32, #tpu.memory_space<hbm>> -> memref<384xf32, #tpu.memory_space<hbm>>
          tpu.wait_dma2 semaphore(%run_scoped3A_67 : memref<!tpu.dma_semaphore, #tpu.memory_space<semaphore_mem>>) src(%dma_wait3A_69 : memref<384xf32, #tpu.memory_space<hbm>>) dst(%arg11 : memref<384xf32, #tpu.memory_space<vmem>>)
          tpu.yield
        }) : () -> ()
        %mul3A_59 = arith.constant 3 : i32
        %mul3A_60 = arith.muli %min3A_54, %mul3A_59 : i32
        "tpu.region"() ({
          %run_scoped3A_67 = tpu.sem_alloc : memref<!tpu.dma_semaphore, #tpu.memory_space<semaphore_mem>>
          %dma_start3A = tpu.memref_slice %arg7[%mul3A_60] : memref<150000xf32, #tpu.memory_space<hbm>> -> memref<384xf32, #tpu.memory_space<hbm>>
          %dma_start3A_68 = tpu.memref_slice %arg7[%mul3A_60] : memref<150000xf32, #tpu.memory_space<hbm>> -> memref<384xf32, #tpu.memory_space<hbm>>
          tpu.enqueue_dma source(%dma_start3A_68 : memref<384xf32, #tpu.memory_space<hbm>>) target(%arg12 : memref<384xf32, #tpu.memory_space<vmem>>) target_semaphore(%run_scoped3A_67 : memref<!tpu.dma_semaphore, #tpu.memory_space<semaphore_mem>>)
          %dma_wait3A = tpu.memref_slice %arg7[%mul3A_60] : memref<150000xf32, #tpu.memory_space<hbm>> -> memref<384xf32, #tpu.memory_space<hbm>>
          %dma_wait3A_69 = tpu.memref_slice %arg7[%mul3A_60] : memref<150000xf32, #tpu.memory_space<hbm>> -> memref<384xf32, #tpu.memory_space<hbm>>
          tpu.wait_dma2 semaphore(%run_scoped3A_67 : memref<!tpu.dma_semaphore, #tpu.memory_space<semaphore_mem>>) src(%dma_wait3A_69 : memref<384xf32, #tpu.memory_space<hbm>>) dst(%arg12 : memref<384xf32, #tpu.memory_space<vmem>>)
          tpu.yield
        }) : () -> ()
        %scan3A_61 = arith.constant 0 : i32
        %scan3A_62 = arith.constant 8 : i32
        %scan3A_63 = arith.addi %scan3A_61, %scan3A_62 : i32
        %scan3A_64 = arith.constant 1 : i32
        %scan3A_65:2 = scf.for %scan3A_67 = %scan3A_61 to %scan3A_63 step %scan3A_64 iter_args(%scan3A_68 = %scan3A_49, %scan3A_69 = %scan3A_50) -> (vector<16xf32>, vector<16xf32>)  : i32 {
          %mul3A_70 = arith.constant 16 : i32
          %mul3A_71 = arith.muli %scan3A_67, %mul3A_70 : i32
          %add3A_72 = vector.broadcast %mul3A_71 : i32 to vector<16xi32>
          %add3A_73 = arith.addi %add3A_72, %iota3A : vector<16xi32>
          %add3A_74 = vector.broadcast %min3A_54 : i32 to vector<16xi32>
          %add3A_75 = arith.addi %add3A_74, %add3A_73 : vector<16xi32>
          %mul3A_76 = arith.constant 3 : i32
          %mul3A_77 = vector.broadcast %mul3A_76 : i32 to vector<16xi32>
          %mul3A_78 = arith.muli %add3A_73, %mul3A_77 : vector<16xi32>
          %gather3A = tpu.vector_load_idx %arg11[%mul3A_78] : memref<384xf32, #tpu.memory_space<vmem>>[vector<16xi32>], vector<16xf32>,
          %add3A_79 = arith.constant 1 : i32
          %add3A_80 = vector.broadcast %add3A_79 : i32 to vector<16xi32>
          %add3A_81 = arith.addi %mul3A_78, %add3A_80 : vector<16xi32>
          %gather3A_82 = tpu.vector_load_idx %arg11[%add3A_81] : memref<384xf32, #tpu.memory_space<vmem>>[vector<16xi32>], vector<16xf32>,
          %add3A_83 = arith.constant 2 : i32
          %add3A_84 = vector.broadcast %add3A_83 : i32 to vector<16xi32>
          %add3A_85 = arith.addi %mul3A_78, %add3A_84 : vector<16xi32>
          %gather3A_86 = tpu.vector_load_idx %arg11[%add3A_85] : memref<384xf32, #tpu.memory_space<vmem>>[vector<16xi32>], vector<16xf32>,
          %mul3A_87 = arith.mulf %get3A_8, %gather3A : vector<16xf32>
          %mul3A_88 = arith.mulf %get3A_10, %gather3A_82 : vector<16xf32>
          %add3A_89 = arith.addf %mul3A_87, %mul3A_88 : vector<16xf32>
          %mul3A_90 = arith.mulf %get3A_12, %gather3A_86 : vector<16xf32>
          %add3A_91 = arith.addf %add3A_89, %mul3A_90 : vector<16xf32>
          %add3A_92 = arith.addf %add3A_91, %get3A_14 : vector<16xf32>
          %mul3A_93 = arith.mulf %get3A_16, %gather3A : vector<16xf32>
          %mul3A_94 = arith.mulf %get3A_18, %gather3A_82 : vector<16xf32>
          %add3A_95 = arith.addf %mul3A_93, %mul3A_94 : vector<16xf32>
          %mul3A_96 = arith.mulf %get3A_20, %gather3A_86 : vector<16xf32>
          %add3A_97 = arith.addf %add3A_95, %mul3A_96 : vector<16xf32>
          %add3A_98 = arith.addf %add3A_97, %get3A_22 : vector<16xf32>
          %mul3A_99 = arith.mulf %get3A_24, %gather3A : vector<16xf32>
          %mul3A_100 = arith.mulf %get3A_26, %gather3A_82 : vector<16xf32>
          %add3A_101 = arith.addf %mul3A_99, %mul3A_100 : vector<16xf32>
          %mul3A_102 = arith.mulf %get3A_28, %gather3A_86 : vector<16xf32>
          %add3A_103 = arith.addf %add3A_101, %mul3A_102 : vector<16xf32>
          %add3A_104 = arith.addf %add3A_103, %get3A_30 : vector<16xf32>
          %mul3A_105 = arith.constant 192 : i32
          %mul3A_106 = vector.broadcast %mul3A_105 : i32 to vector<16xi32>
          %mul3A_107 = arith.muli %add3A_73, %mul3A_106 : vector<16xi32>
          %broadcast_in_dim3A_108 = arith.constant 1.000000e+30 : f32
          %broadcast_in_dim3A_109 = vector.broadcast %broadcast_in_dim3A_108 : f32 to vector<16xf32>
          %scan3A_110 = arith.constant 0 : i32
          %scan3A_111 = arith.constant 64 : i32
          %scan3A_112 = arith.addi %scan3A_110, %scan3A_111 : i32
          %scan3A_113 = arith.constant 1 : i32
          %scan3A_114 = scf.for %scan3A_182 = %scan3A_110 to %scan3A_112 step %scan3A_113 iter_args(%scan3A_183 = %broadcast_in_dim3A_109) -> (vector<16xf32>)  : i32 {
            %mul3A_184 = arith.constant 3 : i32
            %mul3A_185 = arith.muli %scan3A_182, %mul3A_184 : i32
            %add3A_186 = vector.broadcast %mul3A_185 : i32 to vector<16xi32>
            %add3A_187 = arith.addi %mul3A_107, %add3A_186 : vector<16xi32>
            %gather3A_188 = tpu.vector_load_idx %arg10[%add3A_187] : memref<24576xf32, #tpu.memory_space<vmem>>[vector<16xi32>], vector<16xf32>,
            %add3A_189 = arith.constant 1 : i32
            %add3A_190 = vector.broadcast %add3A_189 : i32 to vector<16xi32>
            %add3A_191 = arith.addi %add3A_187, %add3A_190 : vector<16xi32>
            %gather3A_192 = tpu.vector_load_idx %arg10[%add3A_191] : memref<24576xf32, #tpu.memory_space<vmem>>[vector<16xi32>], vector<16xf32>,
            %add3A_193 = arith.constant 2 : i32
            %add3A_194 = vector.broadcast %add3A_193 : i32 to vector<16xi32>
            %add3A_195 = arith.addi %add3A_187, %add3A_194 : vector<16xi32>
            %gather3A_196 = tpu.vector_load_idx %arg10[%add3A_195] : memref<24576xf32, #tpu.memory_space<vmem>>[vector<16xi32>], vector<16xf32>,
            %sub3A_197 = arith.subf %gather3A_188, %add3A_92 : vector<16xf32>
            %sub3A_198 = arith.subf %gather3A_192, %add3A_98 : vector<16xf32>
            %sub3A_199 = arith.subf %gather3A_196, %add3A_104 : vector<16xf32>
            %mul3A_200 = arith.mulf %sub3A_197, %sub3A_197 : vector<16xf32>
            %mul3A_201 = arith.mulf %sub3A_198, %sub3A_198 : vector<16xf32>
            %add3A_202 = arith.addf %mul3A_200, %mul3A_201 : vector<16xf32>
            %mul3A_203 = arith.mulf %sub3A_199, %sub3A_199 : vector<16xf32>
            %add3A_204 = arith.addf %add3A_202, %mul3A_203 : vector<16xf32>
            %min3A_205 = arith.minimumf %scan3A_183, %add3A_204 : vector<16xf32>
            scf.yield %min3A_205 : vector<16xf32>
          }
          %scan3A_115 = arith.constant 64 : i32
          %gather3A_116 = tpu.vector_load_idx %arg12[%mul3A_78] : memref<384xf32, #tpu.memory_space<vmem>>[vector<16xi32>], vector<16xf32>,
          %add3A_117 = arith.constant 1 : i32
          %add3A_118 = vector.broadcast %add3A_117 : i32 to vector<16xi32>
          %add3A_119 = arith.addi %mul3A_78, %add3A_118 : vector<16xi32>
          %gather3A_120 = tpu.vector_load_idx %arg12[%add3A_119] : memref<384xf32, #tpu.memory_space<vmem>>[vector<16xi32>], vector<16xf32>,
          %add3A_121 = arith.constant 2 : i32
          %add3A_122 = vector.broadcast %add3A_121 : i32 to vector<16xi32>
          %add3A_123 = arith.addi %mul3A_78, %add3A_122 : vector<16xi32>
          %gather3A_124 = tpu.vector_load_idx %arg12[%add3A_123] : memref<384xf32, #tpu.memory_space<vmem>>[vector<16xi32>], vector<16xf32>,
          %sub3A = arith.subf %gather3A_116, %add3A_92 : vector<16xf32>
          %sub3A_125 = arith.subf %gather3A_120, %add3A_98 : vector<16xf32>
          %sub3A_126 = arith.subf %gather3A_124, %add3A_104 : vector<16xf32>
          %mul3A_127 = arith.mulf %sub3A, %sub3A : vector<16xf32>
          %mul3A_128 = arith.mulf %sub3A_125, %sub3A_125 : vector<16xf32>
          %add3A_129 = arith.addf %mul3A_127, %mul3A_128 : vector<16xf32>
          %mul3A_130 = arith.mulf %sub3A_126, %sub3A_126 : vector<16xf32>
          %add3A_131 = arith.addf %add3A_129, %mul3A_130 : vector<16xf32>
          %bitcast3A = vector.bitcast %add3A_131 : vector<16xf32> to vector<16xi32>
          %shift_right_arithmetic3A = arith.constant 1 : i32
          %shift_right_arithmetic3A_132 = vector.broadcast %shift_right_arithmetic3A : i32 to vector<16xi32>
          %shift_right_arithmetic3A_133 = arith.shrsi %bitcast3A, %shift_right_arithmetic3A_132 : vector<16xi32>
          %sub3A_134 = arith.constant 1597463007 : i32
          %sub3A_135 = vector.broadcast %sub3A_134 : i32 to vector<16xi32>
          %sub3A_136 = arith.subi %sub3A_135, %shift_right_arithmetic3A_133 : vector<16xi32>
          %bitcast3A_137 = vector.bitcast %sub3A_136 : vector<16xi32> to vector<16xf32>
          %mul3A_138 = arith.constant 5.000000e-01 : f32
          %mul3A_139 = vector.broadcast %mul3A_138 : f32 to vector<16xf32>
          %mul3A_140 = arith.mulf %mul3A_139, %add3A_131 : vector<16xf32>
          %mul3A_141 = arith.mulf %mul3A_140, %bitcast3A_137 : vector<16xf32>
          %mul3A_142 = arith.mulf %mul3A_141, %bitcast3A_137 : vector<16xf32>
          %sub3A_143 = arith.constant 1.500000e+00 : f32
          %sub3A_144 = vector.broadcast %sub3A_143 : f32 to vector<16xf32>
          %sub3A_145 = arith.subf %sub3A_144, %mul3A_142 : vector<16xf32>
          %mul3A_146 = arith.mulf %bitcast3A_137, %sub3A_145 : vector<16xf32>
          %mul3A_147 = arith.constant 5.000000e-01 : f32
          %mul3A_148 = vector.broadcast %mul3A_147 : f32 to vector<16xf32>
          %mul3A_149 = arith.mulf %mul3A_148, %add3A_131 : vector<16xf32>
          %mul3A_150 = arith.mulf %mul3A_149, %mul3A_146 : vector<16xf32>
          %mul3A_151 = arith.mulf %mul3A_150, %mul3A_146 : vector<16xf32>
          %sub3A_152 = arith.constant 1.500000e+00 : f32
          %sub3A_153 = vector.broadcast %sub3A_152 : f32 to vector<16xf32>
          %sub3A_154 = arith.subf %sub3A_153, %mul3A_151 : vector<16xf32>
          %mul3A_155 = arith.mulf %mul3A_146, %sub3A_154 : vector<16xf32>
          %mul3A_156 = arith.constant 5.000000e-01 : f32
          %mul3A_157 = vector.broadcast %mul3A_156 : f32 to vector<16xf32>
          %mul3A_158 = arith.mulf %mul3A_157, %add3A_131 : vector<16xf32>
          %mul3A_159 = arith.mulf %mul3A_158, %mul3A_155 : vector<16xf32>
          %mul3A_160 = arith.mulf %mul3A_159, %mul3A_155 : vector<16xf32>
          %sub3A_161 = arith.constant 1.500000e+00 : f32
          %sub3A_162 = vector.broadcast %sub3A_161 : f32 to vector<16xf32>
          %sub3A_163 = arith.subf %sub3A_162, %mul3A_160 : vector<16xf32>
          %mul3A_164 = arith.mulf %mul3A_155, %sub3A_163 : vector<16xf32>
          %mul3A_165 = arith.mulf %add3A_131, %mul3A_164 : vector<16xf32>
          %ge3A = vector.broadcast %add3A_53 : i32 to vector<16xi32>
          %ge3A_166 = arith.cmpi sge, %add3A_75, %ge3A : vector<16xi32>
          %lt3A = vector.broadcast %add3A : i32 to vector<16xi32>
          %lt3A_167 = arith.cmpi slt, %add3A_75, %lt3A : vector<16xi32>
          %and3A = arith.andi %ge3A_166, %lt3A_167 : vector<16xi1>
          %lt3A_168 = arith.constant 1.000000e+00 : f32
          %lt3A_169 = vector.broadcast %lt3A_168 : f32 to vector<16xf32>
          %lt3A_170 = arith.cmpf olt, %scan3A_114, %lt3A_169 : vector<16xf32>
          %and3A_171 = arith.andi %and3A, %lt3A_170 : vector<16xi1>
          %jit3A_172 = arith.constant 0.000000e+00 : f32
          %broadcast_in_dim3A_173 = vector.broadcast %jit3A_172 : f32 to vector<16xf32>
          %select_n3A_174 = arith.select %and3A_171, %mul3A_165, %broadcast_in_dim3A_173 : vector<16xi1>, vector<16xf32>
          %add3A_175 = arith.addf %scan3A_68, %select_n3A_174 : vector<16xf32>
          %jit3A_176 = arith.constant 1.000000e+00 : f32
          %jit3A_177 = arith.constant 0.000000e+00 : f32
          %broadcast_in_dim3A_178 = vector.broadcast %jit3A_176 : f32 to vector<16xf32>
          %broadcast_in_dim3A_179 = vector.broadcast %jit3A_177 : f32 to vector<16xf32>
          %select_n3A_180 = arith.select %and3A_171, %broadcast_in_dim3A_178, %broadcast_in_dim3A_179 : vector<16xi1>, vector<16xf32>
          %add3A_181 = arith.addf %scan3A_69, %select_n3A_180 : vector<16xf32>
          scf.yield %add3A_175, %add3A_181 : vector<16xf32>, vector<16xf32>
        }
        %scan3A_66 = arith.constant 8 : i32
        scf.yield %scan3A_65#0, %scan3A_65#1 : vector<16xf32>, vector<16xf32>
      }
      %scan3A_43 = arith.constant 25 : i32
      %swap3A = arith.constant 0 : index
      %swap3A_44 = tpu.vector_load %arg14[%swap3A] {strides = array<i32>} : memref<16xf32, #tpu.memory_space<vmem>>, vector<16xf32>,
      tpu.vector_store %arg14[%swap3A], %scan3A_42#0 {strides = array<i32>} : memref<16xf32, #tpu.memory_space<vmem>>, vector<16xf32>,
      %swap3A_45 = arith.constant 0 : index
      %swap3A_46 = tpu.vector_load %arg15[%swap3A_45] {strides = array<i32>} : memref<16xf32, #tpu.memory_space<vmem>>, vector<16xf32>,
      tpu.vector_store %arg15[%swap3A_45], %scan3A_42#1 {strides = array<i32>} : memref<16xf32, #tpu.memory_space<vmem>>, vector<16xf32>,
      %run_scoped3A = arith.constant 0 : i32
      "tpu.region"() ({
        %run_scoped3A_48 = tpu.sem_alloc : memref<!tpu.dma_semaphore, #tpu.memory_space<semaphore_mem>>
        %dma_start3A = arith.constant 0 : i32
        %dma_start3A_49 = tpu.memref_slice %arg9[%arg0, %arg1, %run_scoped3A, %dma_start3A] : memref<2x16x2x16xf32, #tpu.memory_space<hbm>> -> memref<1x1x1x16xf32, #tpu.memory_space<hbm>>
        %dma_start3A_50 = tpu.memref_squeeze %dma_start3A_49 : memref<1x1x1x16xf32, #tpu.memory_space<hbm>> -> memref<16xf32, #tpu.memory_space<hbm>>
        %dma_start3A_51 = arith.constant 0 : i32
        %dma_start3A_52 = tpu.memref_slice %arg9[%arg0, %arg1, %run_scoped3A, %dma_start3A_51] : memref<2x16x2x16xf32, #tpu.memory_space<hbm>> -> memref<1x1x1x16xf32, #tpu.memory_space<hbm>>
        %dma_start3A_53 = tpu.memref_squeeze %dma_start3A_52 : memref<1x1x1x16xf32, #tpu.memory_space<hbm>> -> memref<16xf32, #tpu.memory_space<hbm>>
        tpu.enqueue_dma source(%arg14 : memref<16xf32, #tpu.memory_space<vmem>>) target(%dma_start3A_53 : memref<16xf32, #tpu.memory_space<hbm>>) target_semaphore(%run_scoped3A_48 : memref<!tpu.dma_semaphore, #tpu.memory_space<semaphore_mem>>)
        %dma_wait3A = arith.constant 0 : i32
        %dma_wait3A_54 = tpu.memref_slice %arg9[%arg0, %arg1, %run_scoped3A, %dma_wait3A] : memref<2x16x2x16xf32, #tpu.memory_space<hbm>> -> memref<1x1x1x16xf32, #tpu.memory_space<hbm>>
        %dma_wait3A_55 = tpu.memref_squeeze %dma_wait3A_54 : memref<1x1x1x16xf32, #tpu.memory_space<hbm>> -> memref<16xf32, #tpu.memory_space<hbm>>
        %dma_wait3A_56 = arith.constant 0 : i32
        %dma_wait3A_57 = tpu.memref_slice %arg9[%arg0, %arg1, %run_scoped3A, %dma_wait3A_56] : memref<2x16x2x16xf32, #tpu.memory_space<hbm>> -> memref<1x1x1x16xf32, #tpu.memory_space<hbm>>
        %dma_wait3A_58 = tpu.memref_squeeze %dma_wait3A_57 : memref<1x1x1x16xf32, #tpu.memory_space<hbm>> -> memref<16xf32, #tpu.memory_space<hbm>>
        tpu.wait_dma2 semaphore(%run_scoped3A_48 : memref<!tpu.dma_semaphore, #tpu.memory_space<semaphore_mem>>) src(%arg14 : memref<16xf32, #tpu.memory_space<vmem>>) dst(%dma_wait3A_58 : memref<16xf32, #tpu.memory_space<hbm>>)
        tpu.yield
      }) : () -> ()
      %run_scoped3A_47 = arith.constant 1 : i32
      "tpu.region"() ({
        %run_scoped3A_48 = tpu.sem_alloc : memref<!tpu.dma_semaphore, #tpu.memory_space<semaphore_mem>>
        %dma_start3A = arith.constant 0 : i32
        %dma_start3A_49 = tpu.memref_slice %arg9[%arg0, %arg1, %run_scoped3A_47, %dma_start3A] : memref<2x16x2x16xf32, #tpu.memory_space<hbm>> -> memref<1x1x1x16xf32, #tpu.memory_space<hbm>>
        %dma_start3A_50 = tpu.memref_squeeze %dma_start3A_49 : memref<1x1x1x16xf32, #tpu.memory_space<hbm>> -> memref<16xf32, #tpu.memory_space<hbm>>
        %dma_start3A_51 = arith.constant 0 : i32
        %dma_start3A_52 = tpu.memref_slice %arg9[%arg0, %arg1, %run_scoped3A_47, %dma_start3A_51] : memref<2x16x2x16xf32, #tpu.memory_space<hbm>> -> memref<1x1x1x16xf32, #tpu.memory_space<hbm>>
        %dma_start3A_53 = tpu.memref_squeeze %dma_start3A_52 : memref<1x1x1x16xf32, #tpu.memory_space<hbm>> -> memref<16xf32, #tpu.memory_space<hbm>>
        tpu.enqueue_dma source(%arg15 : memref<16xf32, #tpu.memory_space<vmem>>) target(%dma_start3A_53 : memref<16xf32, #tpu.memory_space<hbm>>) target_semaphore(%run_scoped3A_48 : memref<!tpu.dma_semaphore, #tpu.memory_space<semaphore_mem>>)
        %dma_wait3A = arith.constant 0 : i32
        %dma_wait3A_54 = tpu.memref_slice %arg9[%arg0, %arg1, %run_scoped3A_47, %dma_wait3A] : memref<2x16x2x16xf32, #tpu.memory_space<hbm>> -> memref<1x1x1x16xf32, #tpu.memory_space<hbm>>
        %dma_wait3A_55 = tpu.memref_squeeze %dma_wait3A_54 : memref<1x1x1x16xf32, #tpu.memory_space<hbm>> -> memref<16xf32, #tpu.memory_space<hbm>>
        %dma_wait3A_56 = arith.constant 0 : i32
        %dma_wait3A_57 = tpu.memref_slice %arg9[%arg0, %arg1, %run_scoped3A_47, %dma_wait3A_56] : memref<2x16x2x16xf32, #tpu.memory_space<hbm>> -> memref<1x1x1x16xf32, #tpu.memory_space<hbm>>
        %dma_wait3A_58 = tpu.memref_squeeze %dma_wait3A_57 : memref<1x1x1x16xf32, #tpu.memory_space<hbm>> -> memref<16xf32, #tpu.memory_space<hbm>>
        tpu.wait_dma2 semaphore(%run_scoped3A_48 : memref<!tpu.dma_semaphore, #tpu.memory_space<semaphore_mem>>) src(%arg15 : memref<16xf32, #tpu.memory_space<vmem>>) dst(%dma_wait3A_58 : memref<16xf32, #tpu.memory_space<hbm>>)
        tpu.yield
      }) : () -> ()
    } else {
    }
    %eq3A_3 = arith.constant 1 : i32
    %eq3A_4 = arith.cmpi eq, %arg0, %eq3A_3 : i32
    %convert_element_type3A_5 = arith.extui %eq3A_4 : i1 to i32
    %cond3A_6 = arith.constant 0 : i32
    %cond3A_7 = arith.cmpi ne, %convert_element_type3A_5, %cond3A_6 : i32
    scf.if %cond3A_7 {
      %get3A = arith.constant 192 : index
      %get3A_8 = tpu.vector_load %arg13[%get3A] {strides = array<i32>} : memref<384xf32, #tpu.memory_space<vmem>>, vector<16xf32>,
      %get3A_9 = arith.constant 208 : index
      %get3A_10 = tpu.vector_load %arg13[%get3A_9] {strides = array<i32>} : memref<384xf32, #tpu.memory_space<vmem>>, vector<16xf32>,
      %get3A_11 = arith.constant 224 : index
      %get3A_12 = tpu.vector_load %arg13[%get3A_11] {strides = array<i32>} : memref<384xf32, #tpu.memory_space<vmem>>, vector<16xf32>,
      %get3A_13 = arith.constant 240 : index
      %get3A_14 = tpu.vector_load %arg13[%get3A_13] {strides = array<i32>} : memref<384xf32, #tpu.memory_space<vmem>>, vector<16xf32>,
      %get3A_15 = arith.constant 256 : index
      %get3A_16 = tpu.vector_load %arg13[%get3A_15] {strides = array<i32>} : memref<384xf32, #tpu.memory_space<vmem>>, vector<16xf32>,
      %get3A_17 = arith.constant 272 : index
      %get3A_18 = tpu.vector_load %arg13[%get3A_17] {strides = array<i32>} : memref<384xf32, #tpu.memory_space<vmem>>, vector<16xf32>,
      %get3A_19 = arith.constant 288 : index
      %get3A_20 = tpu.vector_load %arg13[%get3A_19] {strides = array<i32>} : memref<384xf32, #tpu.memory_space<vmem>>, vector<16xf32>,
      %get3A_21 = arith.constant 304 : index
      %get3A_22 = tpu.vector_load %arg13[%get3A_21] {strides = array<i32>} : memref<384xf32, #tpu.memory_space<vmem>>, vector<16xf32>,
      %get3A_23 = arith.constant 320 : index
      %get3A_24 = tpu.vector_load %arg13[%get3A_23] {strides = array<i32>} : memref<384xf32, #tpu.memory_space<vmem>>, vector<16xf32>,
      %get3A_25 = arith.constant 336 : index
      %get3A_26 = tpu.vector_load %arg13[%get3A_25] {strides = array<i32>} : memref<384xf32, #tpu.memory_space<vmem>>, vector<16xf32>,
      %get3A_27 = arith.constant 352 : index
      %get3A_28 = tpu.vector_load %arg13[%get3A_27] {strides = array<i32>} : memref<384xf32, #tpu.memory_space<vmem>>, vector<16xf32>,
      %get3A_29 = arith.constant 368 : index
      %get3A_30 = tpu.vector_load %arg13[%get3A_29] {strides = array<i32>} : memref<384xf32, #tpu.memory_space<vmem>>, vector<16xf32>,
      %mul3A = arith.constant 3128 : i32
      %mul3A_31 = arith.muli %arg1, %mul3A : i32
      %eq3A_32 = arith.constant 15 : i32
      %eq3A_33 = arith.cmpi eq, %arg1, %eq3A_32 : i32
      %jit3A = arith.constant 3080 : i32
      %jit3A_34 = arith.constant 3128 : i32
      %select_n3A = arith.select %eq3A_33, %jit3A, %jit3A_34 : i32
      %add3A = arith.addi %mul3A_31, %select_n3A : i32
      %broadcast_in_dim3A_35 = arith.constant 0.000000e+00 : f32
      %broadcast_in_dim3A_36 = vector.broadcast %broadcast_in_dim3A_35 : f32 to vector<16xf32>
      %broadcast_in_dim3A_37 = arith.constant 0.000000e+00 : f32
      %broadcast_in_dim3A_38 = vector.broadcast %broadcast_in_dim3A_37 : f32 to vector<16xf32>
      %scan3A = arith.constant 0 : i32
      %scan3A_39 = arith.constant 25 : i32
      %scan3A_40 = arith.addi %scan3A, %scan3A_39 : i32
      %scan3A_41 = arith.constant 1 : i32
      %scan3A_42:2 = scf.for %scan3A_48 = %scan3A to %scan3A_40 step %scan3A_41 iter_args(%scan3A_49 = %broadcast_in_dim3A_36, %scan3A_50 = %broadcast_in_dim3A_38) -> (vector<16xf32>, vector<16xf32>)  : i32 {
        %mul3A_51 = arith.constant 128 : i32
        %mul3A_52 = arith.muli %scan3A_48, %mul3A_51 : i32
        %add3A_53 = arith.addi %mul3A_31, %mul3A_52 : i32
        %min3A = arith.constant 49872 : i32
        %min3A_54 = arith.minsi %add3A_53, %min3A : i32
        %mul3A_55 = arith.constant 192 : i32
        %mul3A_56 = arith.muli %min3A_54, %mul3A_55 : i32
        "tpu.region"() ({
          %run_scoped3A_67 = tpu.sem_alloc : memref<!tpu.dma_semaphore, #tpu.memory_space<semaphore_mem>>
          %dma_start3A = tpu.memref_slice %arg4[%mul3A_56] : memref<9600000xf32, #tpu.memory_space<hbm>> -> memref<24576xf32, #tpu.memory_space<hbm>>
          %dma_start3A_68 = tpu.memref_slice %arg4[%mul3A_56] : memref<9600000xf32, #tpu.memory_space<hbm>> -> memref<24576xf32, #tpu.memory_space<hbm>>
          tpu.enqueue_dma source(%dma_start3A_68 : memref<24576xf32, #tpu.memory_space<hbm>>) target(%arg10 : memref<24576xf32, #tpu.memory_space<vmem>>) target_semaphore(%run_scoped3A_67 : memref<!tpu.dma_semaphore, #tpu.memory_space<semaphore_mem>>)
          %dma_wait3A = tpu.memref_slice %arg4[%mul3A_56] : memref<9600000xf32, #tpu.memory_space<hbm>> -> memref<24576xf32, #tpu.memory_space<hbm>>
          %dma_wait3A_69 = tpu.memref_slice %arg4[%mul3A_56] : memref<9600000xf32, #tpu.memory_space<hbm>> -> memref<24576xf32, #tpu.memory_space<hbm>>
          tpu.wait_dma2 semaphore(%run_scoped3A_67 : memref<!tpu.dma_semaphore, #tpu.memory_space<semaphore_mem>>) src(%dma_wait3A_69 : memref<24576xf32, #tpu.memory_space<hbm>>) dst(%arg10 : memref<24576xf32, #tpu.memory_space<vmem>>)
          tpu.yield
        }) : () -> ()
        %mul3A_57 = arith.constant 3 : i32
        %mul3A_58 = arith.muli %min3A_54, %mul3A_57 : i32
        "tpu.region"() ({
          %run_scoped3A_67 = tpu.sem_alloc : memref<!tpu.dma_semaphore, #tpu.memory_space<semaphore_mem>>
          %dma_start3A = tpu.memref_slice %arg6[%mul3A_58] : memref<150000xf32, #tpu.memory_space<hbm>> -> memref<384xf32, #tpu.memory_space<hbm>>
          %dma_start3A_68 = tpu.memref_slice %arg6[%mul3A_58] : memref<150000xf32, #tpu.memory_space<hbm>> -> memref<384xf32, #tpu.memory_space<hbm>>
          tpu.enqueue_dma source(%dma_start3A_68 : memref<384xf32, #tpu.memory_space<hbm>>) target(%arg11 : memref<384xf32, #tpu.memory_space<vmem>>) target_semaphore(%run_scoped3A_67 : memref<!tpu.dma_semaphore, #tpu.memory_space<semaphore_mem>>)
          %dma_wait3A = tpu.memref_slice %arg6[%mul3A_58] : memref<150000xf32, #tpu.memory_space<hbm>> -> memref<384xf32, #tpu.memory_space<hbm>>
          %dma_wait3A_69 = tpu.memref_slice %arg6[%mul3A_58] : memref<150000xf32, #tpu.memory_space<hbm>> -> memref<384xf32, #tpu.memory_space<hbm>>
          tpu.wait_dma2 semaphore(%run_scoped3A_67 : memref<!tpu.dma_semaphore, #tpu.memory_space<semaphore_mem>>) src(%dma_wait3A_69 : memref<384xf32, #tpu.memory_space<hbm>>) dst(%arg11 : memref<384xf32, #tpu.memory_space<vmem>>)
          tpu.yield
        }) : () -> ()
        %mul3A_59 = arith.constant 3 : i32
        %mul3A_60 = arith.muli %min3A_54, %mul3A_59 : i32
        "tpu.region"() ({
          %run_scoped3A_67 = tpu.sem_alloc : memref<!tpu.dma_semaphore, #tpu.memory_space<semaphore_mem>>
          %dma_start3A = tpu.memref_slice %arg8[%mul3A_60] : memref<150000xf32, #tpu.memory_space<hbm>> -> memref<384xf32, #tpu.memory_space<hbm>>
          %dma_start3A_68 = tpu.memref_slice %arg8[%mul3A_60] : memref<150000xf32, #tpu.memory_space<hbm>> -> memref<384xf32, #tpu.memory_space<hbm>>
          tpu.enqueue_dma source(%dma_start3A_68 : memref<384xf32, #tpu.memory_space<hbm>>) target(%arg12 : memref<384xf32, #tpu.memory_space<vmem>>) target_semaphore(%run_scoped3A_67 : memref<!tpu.dma_semaphore, #tpu.memory_space<semaphore_mem>>)
          %dma_wait3A = tpu.memref_slice %arg8[%mul3A_60] : memref<150000xf32, #tpu.memory_space<hbm>> -> memref<384xf32, #tpu.memory_space<hbm>>
          %dma_wait3A_69 = tpu.memref_slice %arg8[%mul3A_60] : memref<150000xf32, #tpu.memory_space<hbm>> -> memref<384xf32, #tpu.memory_space<hbm>>
          tpu.wait_dma2 semaphore(%run_scoped3A_67 : memref<!tpu.dma_semaphore, #tpu.memory_space<semaphore_mem>>) src(%dma_wait3A_69 : memref<384xf32, #tpu.memory_space<hbm>>) dst(%arg12 : memref<384xf32, #tpu.memory_space<vmem>>)
          tpu.yield
        }) : () -> ()
        %scan3A_61 = arith.constant 0 : i32
        %scan3A_62 = arith.constant 8 : i32
        %scan3A_63 = arith.addi %scan3A_61, %scan3A_62 : i32
        %scan3A_64 = arith.constant 1 : i32
        %scan3A_65:2 = scf.for %scan3A_67 = %scan3A_61 to %scan3A_63 step %scan3A_64 iter_args(%scan3A_68 = %scan3A_49, %scan3A_69 = %scan3A_50) -> (vector<16xf32>, vector<16xf32>)  : i32 {
          %mul3A_70 = arith.constant 16 : i32
          %mul3A_71 = arith.muli %scan3A_67, %mul3A_70 : i32
          %add3A_72 = vector.broadcast %mul3A_71 : i32 to vector<16xi32>
          %add3A_73 = arith.addi %add3A_72, %iota3A : vector<16xi32>
          %add3A_74 = vector.broadcast %min3A_54 : i32 to vector<16xi32>
          %add3A_75 = arith.addi %add3A_74, %add3A_73 : vector<16xi32>
          %mul3A_76 = arith.constant 3 : i32
          %mul3A_77 = vector.broadcast %mul3A_76 : i32 to vector<16xi32>
          %mul3A_78 = arith.muli %add3A_73, %mul3A_77 : vector<16xi32>
          %gather3A = tpu.vector_load_idx %arg11[%mul3A_78] : memref<384xf32, #tpu.memory_space<vmem>>[vector<16xi32>], vector<16xf32>,
          %add3A_79 = arith.constant 1 : i32
          %add3A_80 = vector.broadcast %add3A_79 : i32 to vector<16xi32>
          %add3A_81 = arith.addi %mul3A_78, %add3A_80 : vector<16xi32>
          %gather3A_82 = tpu.vector_load_idx %arg11[%add3A_81] : memref<384xf32, #tpu.memory_space<vmem>>[vector<16xi32>], vector<16xf32>,
          %add3A_83 = arith.constant 2 : i32
          %add3A_84 = vector.broadcast %add3A_83 : i32 to vector<16xi32>
          %add3A_85 = arith.addi %mul3A_78, %add3A_84 : vector<16xi32>
          %gather3A_86 = tpu.vector_load_idx %arg11[%add3A_85] : memref<384xf32, #tpu.memory_space<vmem>>[vector<16xi32>], vector<16xf32>,
          %mul3A_87 = arith.mulf %get3A_8, %gather3A : vector<16xf32>
          %mul3A_88 = arith.mulf %get3A_10, %gather3A_82 : vector<16xf32>
          %add3A_89 = arith.addf %mul3A_87, %mul3A_88 : vector<16xf32>
          %mul3A_90 = arith.mulf %get3A_12, %gather3A_86 : vector<16xf32>
          %add3A_91 = arith.addf %add3A_89, %mul3A_90 : vector<16xf32>
          %add3A_92 = arith.addf %add3A_91, %get3A_14 : vector<16xf32>
          %mul3A_93 = arith.mulf %get3A_16, %gather3A : vector<16xf32>
          %mul3A_94 = arith.mulf %get3A_18, %gather3A_82 : vector<16xf32>
          %add3A_95 = arith.addf %mul3A_93, %mul3A_94 : vector<16xf32>
          %mul3A_96 = arith.mulf %get3A_20, %gather3A_86 : vector<16xf32>
          %add3A_97 = arith.addf %add3A_95, %mul3A_96 : vector<16xf32>
          %add3A_98 = arith.addf %add3A_97, %get3A_22 : vector<16xf32>
          %mul3A_99 = arith.mulf %get3A_24, %gather3A : vector<16xf32>
          %mul3A_100 = arith.mulf %get3A_26, %gather3A_82 : vector<16xf32>
          %add3A_101 = arith.addf %mul3A_99, %mul3A_100 : vector<16xf32>
          %mul3A_102 = arith.mulf %get3A_28, %gather3A_86 : vector<16xf32>
          %add3A_103 = arith.addf %add3A_101, %mul3A_102 : vector<16xf32>
          %add3A_104 = arith.addf %add3A_103, %get3A_30 : vector<16xf32>
          %mul3A_105 = arith.constant 192 : i32
          %mul3A_106 = vector.broadcast %mul3A_105 : i32 to vector<16xi32>
          %mul3A_107 = arith.muli %add3A_73, %mul3A_106 : vector<16xi32>
          %broadcast_in_dim3A_108 = arith.constant 1.000000e+30 : f32
          %broadcast_in_dim3A_109 = vector.broadcast %broadcast_in_dim3A_108 : f32 to vector<16xf32>
          %scan3A_110 = arith.constant 0 : i32
          %scan3A_111 = arith.constant 64 : i32
          %scan3A_112 = arith.addi %scan3A_110, %scan3A_111 : i32
          %scan3A_113 = arith.constant 1 : i32
          %scan3A_114 = scf.for %scan3A_182 = %scan3A_110 to %scan3A_112 step %scan3A_113 iter_args(%scan3A_183 = %broadcast_in_dim3A_109) -> (vector<16xf32>)  : i32 {
            %mul3A_184 = arith.constant 3 : i32
            %mul3A_185 = arith.muli %scan3A_182, %mul3A_184 : i32
            %add3A_186 = vector.broadcast %mul3A_185 : i32 to vector<16xi32>
            %add3A_187 = arith.addi %mul3A_107, %add3A_186 : vector<16xi32>
            %gather3A_188 = tpu.vector_load_idx %arg10[%add3A_187] : memref<24576xf32, #tpu.memory_space<vmem>>[vector<16xi32>], vector<16xf32>,
            %add3A_189 = arith.constant 1 : i32
            %add3A_190 = vector.broadcast %add3A_189 : i32 to vector<16xi32>
            %add3A_191 = arith.addi %add3A_187, %add3A_190 : vector<16xi32>
            %gather3A_192 = tpu.vector_load_idx %arg10[%add3A_191] : memref<24576xf32, #tpu.memory_space<vmem>>[vector<16xi32>], vector<16xf32>,
            %add3A_193 = arith.constant 2 : i32
            %add3A_194 = vector.broadcast %add3A_193 : i32 to vector<16xi32>
            %add3A_195 = arith.addi %add3A_187, %add3A_194 : vector<16xi32>
            %gather3A_196 = tpu.vector_load_idx %arg10[%add3A_195] : memref<24576xf32, #tpu.memory_space<vmem>>[vector<16xi32>], vector<16xf32>,
            %sub3A_197 = arith.subf %gather3A_188, %add3A_92 : vector<16xf32>
            %sub3A_198 = arith.subf %gather3A_192, %add3A_98 : vector<16xf32>
            %sub3A_199 = arith.subf %gather3A_196, %add3A_104 : vector<16xf32>
            %mul3A_200 = arith.mulf %sub3A_197, %sub3A_197 : vector<16xf32>
            %mul3A_201 = arith.mulf %sub3A_198, %sub3A_198 : vector<16xf32>
            %add3A_202 = arith.addf %mul3A_200, %mul3A_201 : vector<16xf32>
            %mul3A_203 = arith.mulf %sub3A_199, %sub3A_199 : vector<16xf32>
            %add3A_204 = arith.addf %add3A_202, %mul3A_203 : vector<16xf32>
            %min3A_205 = arith.minimumf %scan3A_183, %add3A_204 : vector<16xf32>
            scf.yield %min3A_205 : vector<16xf32>
          }
          %scan3A_115 = arith.constant 64 : i32
          %gather3A_116 = tpu.vector_load_idx %arg12[%mul3A_78] : memref<384xf32, #tpu.memory_space<vmem>>[vector<16xi32>], vector<16xf32>,
          %add3A_117 = arith.constant 1 : i32
          %add3A_118 = vector.broadcast %add3A_117 : i32 to vector<16xi32>
          %add3A_119 = arith.addi %mul3A_78, %add3A_118 : vector<16xi32>
          %gather3A_120 = tpu.vector_load_idx %arg12[%add3A_119] : memref<384xf32, #tpu.memory_space<vmem>>[vector<16xi32>], vector<16xf32>,
          %add3A_121 = arith.constant 2 : i32
          %add3A_122 = vector.broadcast %add3A_121 : i32 to vector<16xi32>
          %add3A_123 = arith.addi %mul3A_78, %add3A_122 : vector<16xi32>
          %gather3A_124 = tpu.vector_load_idx %arg12[%add3A_123] : memref<384xf32, #tpu.memory_space<vmem>>[vector<16xi32>], vector<16xf32>,
          %sub3A = arith.subf %gather3A_116, %add3A_92 : vector<16xf32>
          %sub3A_125 = arith.subf %gather3A_120, %add3A_98 : vector<16xf32>
          %sub3A_126 = arith.subf %gather3A_124, %add3A_104 : vector<16xf32>
          %mul3A_127 = arith.mulf %sub3A, %sub3A : vector<16xf32>
          %mul3A_128 = arith.mulf %sub3A_125, %sub3A_125 : vector<16xf32>
          %add3A_129 = arith.addf %mul3A_127, %mul3A_128 : vector<16xf32>
          %mul3A_130 = arith.mulf %sub3A_126, %sub3A_126 : vector<16xf32>
          %add3A_131 = arith.addf %add3A_129, %mul3A_130 : vector<16xf32>
          %bitcast3A = vector.bitcast %add3A_131 : vector<16xf32> to vector<16xi32>
          %shift_right_arithmetic3A = arith.constant 1 : i32
          %shift_right_arithmetic3A_132 = vector.broadcast %shift_right_arithmetic3A : i32 to vector<16xi32>
          %shift_right_arithmetic3A_133 = arith.shrsi %bitcast3A, %shift_right_arithmetic3A_132 : vector<16xi32>
          %sub3A_134 = arith.constant 1597463007 : i32
          %sub3A_135 = vector.broadcast %sub3A_134 : i32 to vector<16xi32>
          %sub3A_136 = arith.subi %sub3A_135, %shift_right_arithmetic3A_133 : vector<16xi32>
          %bitcast3A_137 = vector.bitcast %sub3A_136 : vector<16xi32> to vector<16xf32>
          %mul3A_138 = arith.constant 5.000000e-01 : f32
          %mul3A_139 = vector.broadcast %mul3A_138 : f32 to vector<16xf32>
          %mul3A_140 = arith.mulf %mul3A_139, %add3A_131 : vector<16xf32>
          %mul3A_141 = arith.mulf %mul3A_140, %bitcast3A_137 : vector<16xf32>
          %mul3A_142 = arith.mulf %mul3A_141, %bitcast3A_137 : vector<16xf32>
          %sub3A_143 = arith.constant 1.500000e+00 : f32
          %sub3A_144 = vector.broadcast %sub3A_143 : f32 to vector<16xf32>
          %sub3A_145 = arith.subf %sub3A_144, %mul3A_142 : vector<16xf32>
          %mul3A_146 = arith.mulf %bitcast3A_137, %sub3A_145 : vector<16xf32>
          %mul3A_147 = arith.constant 5.000000e-01 : f32
          %mul3A_148 = vector.broadcast %mul3A_147 : f32 to vector<16xf32>
          %mul3A_149 = arith.mulf %mul3A_148, %add3A_131 : vector<16xf32>
          %mul3A_150 = arith.mulf %mul3A_149, %mul3A_146 : vector<16xf32>
          %mul3A_151 = arith.mulf %mul3A_150, %mul3A_146 : vector<16xf32>
          %sub3A_152 = arith.constant 1.500000e+00 : f32
          %sub3A_153 = vector.broadcast %sub3A_152 : f32 to vector<16xf32>
          %sub3A_154 = arith.subf %sub3A_153, %mul3A_151 : vector<16xf32>
          %mul3A_155 = arith.mulf %mul3A_146, %sub3A_154 : vector<16xf32>
          %mul3A_156 = arith.constant 5.000000e-01 : f32
          %mul3A_157 = vector.broadcast %mul3A_156 : f32 to vector<16xf32>
          %mul3A_158 = arith.mulf %mul3A_157, %add3A_131 : vector<16xf32>
          %mul3A_159 = arith.mulf %mul3A_158, %mul3A_155 : vector<16xf32>
          %mul3A_160 = arith.mulf %mul3A_159, %mul3A_155 : vector<16xf32>
          %sub3A_161 = arith.constant 1.500000e+00 : f32
          %sub3A_162 = vector.broadcast %sub3A_161 : f32 to vector<16xf32>
          %sub3A_163 = arith.subf %sub3A_162, %mul3A_160 : vector<16xf32>
          %mul3A_164 = arith.mulf %mul3A_155, %sub3A_163 : vector<16xf32>
          %mul3A_165 = arith.mulf %add3A_131, %mul3A_164 : vector<16xf32>
          %ge3A = vector.broadcast %add3A_53 : i32 to vector<16xi32>
          %ge3A_166 = arith.cmpi sge, %add3A_75, %ge3A : vector<16xi32>
          %lt3A = vector.broadcast %add3A : i32 to vector<16xi32>
          %lt3A_167 = arith.cmpi slt, %add3A_75, %lt3A : vector<16xi32>
          %and3A = arith.andi %ge3A_166, %lt3A_167 : vector<16xi1>
          %lt3A_168 = arith.constant 1.000000e+00 : f32
          %lt3A_169 = vector.broadcast %lt3A_168 : f32 to vector<16xf32>
          %lt3A_170 = arith.cmpf olt, %scan3A_114, %lt3A_169 : vector<16xf32>
          %and3A_171 = arith.andi %and3A, %lt3A_170 : vector<16xi1>
          %jit3A_172 = arith.constant 0.000000e+00 : f32
          %broadcast_in_dim3A_173 = vector.broadcast %jit3A_172 : f32 to vector<16xf32>
          %select_n3A_174 = arith.select %and3A_171, %mul3A_165, %broadcast_in_dim3A_173 : vector<16xi1>, vector<16xf32>
          %add3A_175 = arith.addf %scan3A_68, %select_n3A_174 : vector<16xf32>
          %jit3A_176 = arith.constant 1.000000e+00 : f32
          %jit3A_177 = arith.constant 0.000000e+00 : f32
          %broadcast_in_dim3A_178 = vector.broadcast %jit3A_176 : f32 to vector<16xf32>
          %broadcast_in_dim3A_179 = vector.broadcast %jit3A_177 : f32 to vector<16xf32>
          %select_n3A_180 = arith.select %and3A_171, %broadcast_in_dim3A_178, %broadcast_in_dim3A_179 : vector<16xi1>, vector<16xf32>
          %add3A_181 = arith.addf %scan3A_69, %select_n3A_180 : vector<16xf32>
          scf.yield %add3A_175, %add3A_181 : vector<16xf32>, vector<16xf32>
        }
        %scan3A_66 = arith.constant 8 : i32
        scf.yield %scan3A_65#0, %scan3A_65#1 : vector<16xf32>, vector<16xf32>
      }
      %scan3A_43 = arith.constant 25 : i32
      %swap3A = arith.constant 0 : index
      %swap3A_44 = tpu.vector_load %arg14[%swap3A] {strides = array<i32>} : memref<16xf32, #tpu.memory_space<vmem>>, vector<16xf32>,
      tpu.vector_store %arg14[%swap3A], %scan3A_42#0 {strides = array<i32>} : memref<16xf32, #tpu.memory_space<vmem>>, vector<16xf32>,
      %swap3A_45 = arith.constant 0 : index
      %swap3A_46 = tpu.vector_load %arg15[%swap3A_45] {strides = array<i32>} : memref<16xf32, #tpu.memory_space<vmem>>, vector<16xf32>,
      tpu.vector_store %arg15[%swap3A_45], %scan3A_42#1 {strides = array<i32>} : memref<16xf32, #tpu.memory_space<vmem>>, vector<16xf32>,
      %run_scoped3A = arith.constant 0 : i32
      "tpu.region"() ({
        %run_scoped3A_48 = tpu.sem_alloc : memref<!tpu.dma_semaphore, #tpu.memory_space<semaphore_mem>>
        %dma_start3A = arith.constant 0 : i32
        %dma_start3A_49 = tpu.memref_slice %arg9[%arg0, %arg1, %run_scoped3A, %dma_start3A] : memref<2x16x2x16xf32, #tpu.memory_space<hbm>> -> memref<1x1x1x16xf32, #tpu.memory_space<hbm>>
        %dma_start3A_50 = tpu.memref_squeeze %dma_start3A_49 : memref<1x1x1x16xf32, #tpu.memory_space<hbm>> -> memref<16xf32, #tpu.memory_space<hbm>>
        %dma_start3A_51 = arith.constant 0 : i32
        %dma_start3A_52 = tpu.memref_slice %arg9[%arg0, %arg1, %run_scoped3A, %dma_start3A_51] : memref<2x16x2x16xf32, #tpu.memory_space<hbm>> -> memref<1x1x1x16xf32, #tpu.memory_space<hbm>>
        %dma_start3A_53 = tpu.memref_squeeze %dma_start3A_52 : memref<1x1x1x16xf32, #tpu.memory_space<hbm>> -> memref<16xf32, #tpu.memory_space<hbm>>
        tpu.enqueue_dma source(%arg14 : memref<16xf32, #tpu.memory_space<vmem>>) target(%dma_start3A_53 : memref<16xf32, #tpu.memory_space<hbm>>) target_semaphore(%run_scoped3A_48 : memref<!tpu.dma_semaphore, #tpu.memory_space<semaphore_mem>>)
        %dma_wait3A = arith.constant 0 : i32
        %dma_wait3A_54 = tpu.memref_slice %arg9[%arg0, %arg1, %run_scoped3A, %dma_wait3A] : memref<2x16x2x16xf32, #tpu.memory_space<hbm>> -> memref<1x1x1x16xf32, #tpu.memory_space<hbm>>
        %dma_wait3A_55 = tpu.memref_squeeze %dma_wait3A_54 : memref<1x1x1x16xf32, #tpu.memory_space<hbm>> -> memref<16xf32, #tpu.memory_space<hbm>>
        %dma_wait3A_56 = arith.constant 0 : i32
        %dma_wait3A_57 = tpu.memref_slice %arg9[%arg0, %arg1, %run_scoped3A, %dma_wait3A_56] : memref<2x16x2x16xf32, #tpu.memory_space<hbm>> -> memref<1x1x1x16xf32, #tpu.memory_space<hbm>>
        %dma_wait3A_58 = tpu.memref_squeeze %dma_wait3A_57 : memref<1x1x1x16xf32, #tpu.memory_space<hbm>> -> memref<16xf32, #tpu.memory_space<hbm>>
        tpu.wait_dma2 semaphore(%run_scoped3A_48 : memref<!tpu.dma_semaphore, #tpu.memory_space<semaphore_mem>>) src(%arg14 : memref<16xf32, #tpu.memory_space<vmem>>) dst(%dma_wait3A_58 : memref<16xf32, #tpu.memory_space<hbm>>)
        tpu.yield
      }) : () -> ()
      %run_scoped3A_47 = arith.constant 1 : i32
      "tpu.region"() ({
        %run_scoped3A_48 = tpu.sem_alloc : memref<!tpu.dma_semaphore, #tpu.memory_space<semaphore_mem>>
        %dma_start3A = arith.constant 0 : i32
        %dma_start3A_49 = tpu.memref_slice %arg9[%arg0, %arg1, %run_scoped3A_47, %dma_start3A] : memref<2x16x2x16xf32, #tpu.memory_space<hbm>> -> memref<1x1x1x16xf32, #tpu.memory_space<hbm>>
        %dma_start3A_50 = tpu.memref_squeeze %dma_start3A_49 : memref<1x1x1x16xf32, #tpu.memory_space<hbm>> -> memref<16xf32, #tpu.memory_space<hbm>>
        %dma_start3A_51 = arith.constant 0 : i32
        %dma_start3A_52 = tpu.memref_slice %arg9[%arg0, %arg1, %run_scoped3A_47, %dma_start3A_51] : memref<2x16x2x16xf32, #tpu.memory_space<hbm>> -> memref<1x1x1x16xf32, #tpu.memory_space<hbm>>
        %dma_start3A_53 = tpu.memref_squeeze %dma_start3A_52 : memref<1x1x1x16xf32, #tpu.memory_space<hbm>> -> memref<16xf32, #tpu.memory_space<hbm>>
        tpu.enqueue_dma source(%arg15 : memref<16xf32, #tpu.memory_space<vmem>>) target(%dma_start3A_53 : memref<16xf32, #tpu.memory_space<hbm>>) target_semaphore(%run_scoped3A_48 : memref<!tpu.dma_semaphore, #tpu.memory_space<semaphore_mem>>)
        %dma_wait3A = arith.constant 0 : i32
        %dma_wait3A_54 = tpu.memref_slice %arg9[%arg0, %arg1, %run_scoped3A_47, %dma_wait3A] : memref<2x16x2x16xf32, #tpu.memory_space<hbm>> -> memref<1x1x1x16xf32, #tpu.memory_space<hbm>>
        %dma_wait3A_55 = tpu.memref_squeeze %dma_wait3A_54 : memref<1x1x1x16xf32, #tpu.memory_space<hbm>> -> memref<16xf32, #tpu.memory_space<hbm>>
        %dma_wait3A_56 = arith.constant 0 : i32
        %dma_wait3A_57 = tpu.memref_slice %arg9[%arg0, %arg1, %run_scoped3A_47, %dma_wait3A_56] : memref<2x16x2x16xf32, #tpu.memory_space<hbm>> -> memref<1x1x1x16xf32, #tpu.memory_space<hbm>>
        %dma_wait3A_58 = tpu.memref_squeeze %dma_wait3A_57 : memref<1x1x1x16xf32, #tpu.memory_space<hbm>> -> memref<16xf32, #tpu.memory_space<hbm>>
        tpu.wait_dma2 semaphore(%run_scoped3A_48 : memref<!tpu.dma_semaphore, #tpu.memory_space<semaphore_mem>>) src(%arg15 : memref<16xf32, #tpu.memory_space<vmem>>) dst(%dma_wait3A_58 : memref<16xf32, #tpu.memory_space<hbm>>)
        tpu.yield
      }) : () -> ()
    } else {
    }
    return
  }
}

</mosaic_0001>

<sc_bundles>
// kernel: kernel.3.cloned.1.call-start
scs
__scs_entry_jumppad:
0x0: {  	(pc) =	sbr.rel $0x88, $3  }
0x1: {  	(tag) =	ssettag $0x0;
	lr =	simm.s32 $0x1  }
0x2: {  	[smem:$0x3F9A] =	sst lr;
	_ =	strace $0xD0000000  }
0x3: {  	_ = 	snop  }
0x4: {  	_ = 	snop  }
0x5: {  	_ = 	snop  }
0x6: {  	_ = 	snop  }
0x7: {  	_ = 	snop  }
__scs_overlays_trampoline_lowered:
0x8: {  	[smem:$0x3FA9] =	sst s0  }
0x9: {  	[smem:$0x3FAA] =	sst s1  }
0xa: {  	[smem:$0x3FAB] =	sst s2  }
0xb: {  	[smem:$0x3FAC] =	sst s3  }
0xc: {  	[smem:$0x3FAD] =	sst s4  }
0xd: {  	[smem:$0x3FAE] =	sst s5  }
0xe: {  	[smem:$0x3FAF] =	sst s6  }
0xf: {  	[smem:$0x3FB0] =	sst s7  }
0x10: {  	[smem:$0x3FB1] =	sst s8  }
0x11: {  	[smem:$0x3FB2] =	sst s9;
	s0 =	simm.s32 @!p0 $0x0  }
0x12: {  	s1 =	sld [smem:$0x3F98];
	s0 =	simm.s32 @p0 $0x1  }
0x13: {  	[smem:$0x3FB3] =	sst s0;
	s0 =	simm.s32 @!p1 $0x0  }
0x14: {  	s2 =	sld [smem:$0x3F97];
	s0 =	simm.s32 @p1 $0x1  }
0x15: {  	[smem:$0x3FB4] =	sst s0;
	s0 =	simm.s32 @!p2 $0x0  }
0x16: {  	s3 =	sld [smem:$0x3FDB];
	s0 =	simm.s32 @p2 $0x1  }
0x17: {  	s4 =	simm.s32 $0x1BF5;
	[smem:$0x3FB6] =	sst s0  }
0x18: {  	s0 =	sld [smem:$0x3F99];
	_ =	swait.ge [sflag:s4], $0x0  }
0x19: {  	s7 =	sld [smem:$0x3F9A]  }
0x1a: {  	s8 =	sadd.s32 $0xFFFFE003, lr  }
0x1b: {  	s9 =	sadd.s32 $0xFFFFFEF7, lr;
	s5 =	simm.s32 $0xFFFFFFFF;
	p2 =	slt.u32 s8, $0xFFFFF086  }
0x1c: {  	p1 =	slt.u32 s9, $0xF7A;
	s5 =	simm.s32 @!p2 $0x0  }
0x1d: {  	s5 =	simm.s32 @p1 $0x1;
	p0 =	seq.s32 s7, s2  }
0x1e: {  	s7 =	smul.u32 @!p0 $0xF7A, s2;
	p2 =	seq.s32 @!p0 s5, $0x0  }
0x1f: {  	s9 =	smul.u32 $0xF7A, s1;
	s8 =	simm.s32 @!p0 $0x1BF5;
	p2 =	por !p2, p0  }
0x20: {  	[sflag:s8] =	ssyncset.s32 @!p0 $0xFFFFF086;
	s6 =	sadd.s32 @!p0 s3, s7;
	s7 =	simm.s32 @!p0 $0x108  }
0x21: {  	s3 =	sadd.s32 s3, s9;
	s6 =	sadd.s32 @!p0 $0x88, s6;
	s7 =	simm.s32 @p2 $0x1082  }
0x22: {  	[simem:s7], [sflag:s8] =	dma.local @!p0 [hbm:s6], $0xF7A  }
0x23: {  	s9 =	sor.u32 $0xD0000000, s2;
	s6 =	simm.s32 $0x108;
	_ =	swait.ge @!p0 [sflag:s8], $0x0  }
0x24: {  	s3 =	sadd.s32 $0x88, s3;
	s6 =	simm.s32 @!p1 $0x1082;
	[sflag:s4] =	ssyncset.s32 $0xFFFFF086  }
0x25: {  	[simem:s6], [sflag:s4] =	dma.local [hbm:s3], $0xF7A  }
0x26: {  	[smem:$0x3F9A] =	sst s1;
	(tag) =	ssettag s2;
	_ =	strace s9  }
0x27: {  	s1 =	sld [smem:$0x3FAA]  }
0x28: {  	s2 =	sld [smem:$0x3FAB]  }
0x29: {  	s4 =	sld [smem:$0x3FAD]  }
0x2a: {  	p0 =	seq.s32 s5, $0x0;
	s5 =	sld [smem:$0x3FAE]  }
0x2b: {  	s6 =	sld [smem:$0x3FAF]  }
0x2c: {  	s7 =	sld [smem:$0x3FB0]  }
0x2d: {  	s3 =	simm.s32 $0x108;
	s8 =	sld [smem:$0x3FB1]  }
0x2e: {  	s3 =	simm.s32 @!p0 $0x1082;
	s9 =	sld [smem:$0x3FB2]  }
0x2f: {  	lr =	sadd.s32 s0, s3;
	s0 =	sld [smem:$0x3FA9]  }
0x30: {  	s3 =	sld [smem:$0x3FAC]  }
0x31: {  	[smem:$0x3FB5] =	sst s10  }
0x32: {  	s10 =	sld [smem:$0x3FB3];
	_ =	sdelay $0x3  }
0x33: {  	p0 =	seq.s32 s10, $0x1;
	s10 =	sld [smem:$0x3FB5];
	_ =	sdelay $0x3  }
0x34: {  	[smem:$0x3FB5] =	sst s10  }
0x35: {  	s10 =	sld [smem:$0x3FB4];
	_ =	sdelay $0x3  }
0x36: {  	p1 =	seq.s32 s10, $0x1;
	s10 =	sld [smem:$0x3FB5];
	_ =	sdelay $0x3  }
0x37: {  	[smem:$0x3FB5] =	sst s10  }
0x38: {  	s10 =	sld [smem:$0x3FB6]  }
0x39: {  	_ = 	snop;
	(pc) =	sbr.ind lr, $3  }
0x3a: {  	_ = 	snop  }
0x3b: {  	_ = 	snop  }
0x3c: {  	p2 =	seq.s32 s10, $0x1;
	s10 =	sld [smem:$0x3FB5]  }
0x3d: {  	_ =	shalt  }
0x3e: {  	_ =	shalt  }
0x3f: {  	_ =	shalt  }
0x40: {  	_ =	shalt  }
0x41: {  	_ =	shalt  }
0x42: {  	_ =	shalt  }
0x43: {  	_ =	shalt  }
0x44: {  	_ =	shalt  }
0x45: {  	_ =	shalt  }
0x46: {  	_ =	shalt  }
0x47: {  	_ =	shalt  }
0x48: {  	_ =	shalt  }
0x49: {  	_ =	shalt  }
0x4a: {  	_ =	shalt  }
0x4b: {  	_ =	shalt  }
0x4c: {  	_ =	shalt  }
0x4d: {  	_ =	shalt  }
0x4e: {  	_ =	shalt  }
0x4f: {  	_ =	shalt  }
0x50: {  	_ =	shalt  }
0x51: {  	_ =	shalt  }
0x52: {  	_ =	shalt  }
0x53: {  	_ =	shalt  }
0x54: {  	_ =	shalt  }
0x55: {  	_ =	shalt  }
0x56: {  	_ =	shalt  }
0x57: {  	_ =	shalt  }
0x58: {  	_ =	shalt  }
0x59: {  	_ =	shalt  }
0x5a: {  	_ =	shalt  }
0x5b: {  	_ =	shalt  }
0x5c: {  	_ =	shalt  }
0x5d: {  	_ =	shalt  }
0x5e: {  	_ =	shalt  }
0x5f: {  	_ =	shalt  }
0x60: {  	_ =	shalt  }
0x61: {  	_ =	shalt  }
0x62: {  	_ =	shalt  }
0x63: {  	_ =	shalt  }
0x64: {  	_ =	shalt  }
0x65: {  	_ =	shalt  }
0x66: {  	_ =	shalt  }
0x67: {  	_ =	shalt  }
0x68: {  	_ =	shalt  }
0x69: {  	_ =	shalt  }
0x6a: {  	_ =	shalt  }
0x6b: {  	_ =	shalt  }
0x6c: {  	_ =	shalt  }
0x6d: {  	_ =	shalt  }
0x6e: {  	_ =	shalt  }
0x6f: {  	_ =	shalt  }
0x70: {  	_ =	shalt  }
0x71: {  	_ =	shalt  }
0x72: {  	_ =	shalt  }
0x73: {  	_ =	shalt  }
0x74: {  	_ =	shalt  }
0x75: {  	_ =	shalt  }
0x76: {  	_ =	shalt  }
0x77: {  	_ =	shalt  }
0x78: {  	_ =	shalt  }
0x79: {  	_ =	shalt  }
0x7a: {  	_ =	shalt  }
0x7b: {  	_ =	shalt  }
0x7c: {  	_ =	shalt  }
0x7d: {  	_ =	shalt  }
0x7e: {  	_ =	shalt  }
0x7f: {  	_ =	shalt  }
0x80: {  	_ =	shalt  }
0x81: {  	_ =	shalt  }
0x82: {  	_ =	shalt  }
0x83: {  	_ =	shalt  }
0x84: {  	_ =	shalt  }
0x85: {  	_ =	shalt  }
0x86: {  	_ =	shalt  }
0x87: {  	_ =	shalt  }
.Lfunc_end0:
.L_simem_size_0:
called_computation_lowered:
.L_overlay_start_0:
0x88: {  	s2 =	sld [smem:$0x3FD9]  }
0x89: {  	s3 =	sld [smem:$0x3FFE];
	_ =	sdelay $0x1  }
0x8a: {  	s1 =	srdreg.scid  }
0x8b: {  	s0 =	sand.u32 $0x1, s1  }
0x8c: {  	s16 =	sshll.u32 s0, $0xA;
	s2 =	sadd.s32 s3, s2  }
0x8d: {  	s2 =	sadd.s32 s2, s16  }
0x8e: {  	[smem:$0x3FC1] =	sst s2  }
0x8f: {  	_ = 	snop  }
0x90: {  	(tm) =	ssettm $0x1  }
0x91: {  	s17 =	sld [smem:$0x3FFB];
	_ =	sdelay $0x3  }
0x92: {  	_ =	strace s17  }
0x93: {  	s2 =	sld [smem:$0x3FFC];
	_ =	sdelay $0x3  }
0x94: {  	_ =	strace s2  }
0x95: {  	s2 =	sld [smem:$0x3FFD];
	_ =	sdelay $0x3  }
0x96: {  	_ =	strace s2  }
0x97: {  	_ =	strace $0x8FFFFFFF  }
0x98: {  	s18 =	sld [smem:$0x3FDB];
	_ =	sdelay $0x1  }
0x99: {  	s19 =	simm.s32 $_scs_section_size  }
0x9a: {  	s4 =	simm.s32 $_size__tile_overlayer_lowered;
	s5 =	simm.s32 $_tile_overlayer_lowered  }
0x9b: {  	s22 =	simm.s32 $0x1BFF;
	s21 =	sshll.u32 s5, $0x1;
	s2 =	sadd.s32 s19, s18  }
0x9c: {  	s6 =	simm.s32 $0x0;
	s20 =	sshll.u32 s4, $0x1;
	s4 =	sadd.s32 s21, s2  }
0x9d: {  	[timem:s6], [sflag:s22] =	dma.local [hbm:s4], s20  }
0x9e: {  	_ =	swait.ge [sflag:s22], s20  }
0x9f: {  	s3 =	ssub.s32 $0x0, s20;
	[sflag:s22] =	ssyncset.done $0x0  }
0xa0: {  	[sflag:s22] =	ssyncadd.s32 s3;
	_ =	sdelay $0x1  }
0xa1: {  	s23 =	simm.s32 $0x1B8B  }
0xa2: {  	_ =	swait.ge [sflag:s23], $0x1  }
0xa3: {  	[sflag:s23] =	ssyncset.done $0x0  }
0xa4: {  	s25 =	simm.s32 $0x1B8E;
	s24 =	sld [smem:$0x3FFE];
	[sflag:s23] =	ssyncadd.s32 $0xFFFFFFFF  }
0xa5: {  	s26 =	simm.s32 $execute0_lowered;
	[smem:$0x3FD2] =	sst s25  }
0xa6: {  	s4 =	sshll.u32 s26, $0x1;
	_ =	strace $0x80000046;
	[dreg:$0x1] =	wrdreg $0xFFFFFFFF  }
0xa7: {  	s28 =	simm.s32 $_size_execute0_lowered;
	s2 =	sadd.s32 s2, s4;
	[dreg:$0x0] =	wrdreg $0x0  }
0xa8: {  	s4 =	sshll.u32 s28, $0x1;
	[dreg:$0x2] =	wrdreg s2  }
0xa9: {  	[dreg:$0x3] =	wrdreg s4  }
0xaa: {  	[dreg:$0x4] =	wrdreg $0xC0  }
0xab: {  	_ =	task [dreg:s6], $0x5FFFF  }
0xac: {  	[dreg:$0x1] =	wrdreg $0xFFFFFFFF  }
0xad: {  	[dreg:$0x0] =	wrdreg $0x60  }
0xae: {  	[dreg:$0x2] =	wrdreg s24  }
0xaf: {  	[dreg:$0x3] =	wrdreg $0x9  }
0xb0: {  	_ =	task.clear_ibuf [dreg:s6], $0x4FFFF;
	_ =	strace $0x90000046  }
0xb1: {  	s29 =	simm.s32 $0x9;
	_ =	strace $0x80000048  }
0xb2: {  	_ =	swait.ge [sflag:s29], $0x1  }
0xb3: {  	[sflag:s29] =	ssyncadd.s32 $0xFFFFFFFF  }
0xb4: {  	_ =	strace $0x90000048  }
0xb5: {  	_ =	sfence  }
0xb6: {  	s30 =	sld [smem:$0x0];
	_ =	sdelay $0x2  }
0xb7: {  	s31 =	sshll.u32 s1, $0xD;
	s1 =	sshrl.u32 s1, $0x2  }
0xb8: {  	s3 =	sand.u32 $0x4000, s31;
	s1 =	sadd.s32 s1, s30  }
0xb9: {  	s0 =	sor.u32 s3, s0;
	s1 =	sshll.u32 s1, $0x11  }
0xba: {  	s0 =	sor.u32 s1, s0  }
0xbb: {  	s0 =	sadd.s32 $0x8F2B, s0  }
0xbc: {  	[sflag:s0] =	ssyncadd.remote.s32 $0x1  }
0xbd: {  	_ =	sfence.sel $0xFFFF  }
0xbe: {  	[dreg:$0x0] =	wrdreg $0xFFFFFFFF;
	(pc) =	sbr.abs _section_cstart, $3  }
0xbf: {  	[dreg:$0x1] =	wrdreg $0xFFFFFFFF  }
0xc0: {  	_ =	task.clear_ibuf [dreg:s6], $0x2FFFF;
	_ =	strace $0x9FFFFFFF  }
0xc1: {  	(tm) =	ssettm $0x7FFFFFFF  }
tec
execute0_lowered:
.L_overlay_start_1:
0x0: {  	(tag) =	ssettag $0x1  }
0x1: {  	s15 =	rddreg [dreg:$0x0]  }
0x2: {  	s0 =	rddreg [dreg:$0x1];
	s1 =	simm.s32 $0x0  }
0x3: {  	s9 =	srdreg.scid;
	s5 =	stileid.u32;
	s14 =	simm.s32 $0xC08  }
0x4: {  	s18 =	simm.s32 $0x1;
	s19 =	simm.s32 $0x6000;
	s20 =	simm.s32 $0x6180  }
0x5: {  	s22 =	simm.s32 $0x6500;
	[smem:$0x7FF] =	sst s1;
	s2 =	sadd.s32 $0xC00, s15  }
0x6: {  	s23 =	simm.s32 $0x0;
	s3 =	sadd.s32 $0x30D4E00, s15;
	s4 =	sadd.s32 $0x31F9E00, s15  }
0x7: {  	s6 =	sadd.s32 $0xE00, s15;
	s7 =	sadd.s32 $0x5800, s15;
	s8 =	sadd.s32 $0xA200, s15  }
0x8: {  	s12 =	sand.u32 $0x1, s9;
	s9 =	sadd.s32 $0xEC00, s15;
	s10 =	sshll.u32 s5, $0x5  }
0x9: {  	s11 =	smul.u32 $0xC38, s5;
	p0 =	seq.s32 s5, $0xF;
	_ =	strace $0x80000047  }
.Ltmp0:
0xa: {  	s13 =	ssub.s32 $0x2, s12;
	s16 =	sadd.s32 s10, s15;
	(pc) =	sbr.rel .LBB2_1-.Ltmp0, $4  }
0xb: {  	s14 =	simm.s32 @!p0 $0xC38;
	p0 =	seq.s32 s12, $0x1;
	s17 =	sshrl.u32 s13, $0x1  }
0xc: {  	s21 =	sadd.s32 s11, s14;
	s12 =	sadd.s32 $0x13600, s16;
	s14 =	sadd.s32 $0x13800, s16  }
0xd: {  	s17 =	ssub.s32 s13, s17;
	s13 =	sadd.s32 $0x13610, s15;
	s15 =	sadd.s32 $0x13810, s15  }
0xe: {  	v1 =	vlaneseq.u32;
	v2 =	vimm.f32 $0.0e+00;
	v0 =	vmov s21;
	s21 =	simm.s32 $0x6480;
	s16 =	smax.u32 s17, $0x1;
	s17 =	simm.s32 $0x6300  }
.LBB2_16:
0xf: {  	[tilespmem:$0x6480] =	vst v4  }
0x10: {  	[tilespmem:$0x6500] =	vst v3  }
0x11: {  	[hbm4b:s25+s1] =	stream.linear.scatter [tilespmem:s21], [sflag:$0x1], $0x80, $0x38;
	[tilespmem:$0x6580] =	vst v63  }
0x12: {  	s23 =	sadd.s32 $0x1, s23;
	_ =	swait.ge [sflag:s18], $0x80  }
0x13: {  	p1 =	sne.s32 s23, s16;
	[sflag:s18] =	ssyncset.done $0x0  }
.Ltmp1:
0x14: {  	s24 =	sadd.s32 s10, s24;
	[sflag:s18] =	ssyncadd.s32 $0xFFFFFF80;
	(pc) =	sbr.rel @!p1 .LBB2_17-.Ltmp1, $4  }
0x15: {  	[hbm4b:s24+s1] =	stream.linear.scatter [tilespmem:s22], [sflag:$0x1], $0x80, $0x38;
	[tilespmem:$0x6580] =	vst v63  }
0x16: {  	_ =	swait.ge [sflag:s18], $0x80  }
0x17: {  	[sflag:s18] =	ssyncset.done $0x0  }
0x18: {  	[sflag:s18] =	ssyncadd.s32 $0xFFFFFF80  }
.LBB2_1:
.Ltmp2:
0x19: {  	(pc) =	sbr.rel @!p0 .LBB2_2-.Ltmp2, $4  }
0x1a: {  	[tilespmem:s17], [sflag:$0x1] =	stream.linear.gather [hbm4b:s2+s1], $0x180, $0x38;
	[tilespmem:$0x6580] =	vst v63  }
0x1b: {  	_ =	swait.ge [sflag:s18], $0x180  }
0x1c: {  	[sflag:s18] =	ssyncset.done $0x0  }
0x1d: {  	[sflag:s18] =	ssyncadd.s32 $0xFFFFFE80  }
0x1e: {  	v5 =	vld [tilespmem:$0x63C0]  }
0x1f: {  	v6 =	vld [tilespmem:$0x63D0]  }
0x20: {  	v7 =	vld [tilespmem:$0x63E0]  }
0x21: {  	v8 =	vld [tilespmem:$0x63F0]  }
0x22: {  	v9 =	vld [tilespmem:$0x6400]  }
0x23: {  	v10 =	vld [tilespmem:$0x6410]  }
0x24: {  	v11 =	vld [tilespmem:$0x6420]  }
0x25: {  	v12 =	vld [tilespmem:$0x6430]  }
0x26: {  	v13 =	vld [tilespmem:$0x6440]  }
0x27: {  	v14 =	vld [tilespmem:$0x6450]  }
0x28: {  	v15 =	vld [tilespmem:$0x6460]  }
0x29: {  	s24 =	simm.s32 $0x0;
	v3 =	vimm.f32 $0.0e+00;
	v16 =	vld [tilespmem:$0x6470];
	v4 =	vimm.f32 $0.0e+00;
	s25 =	simm.s32 $0x0  }
.LBB2_10:
0x2a: {  	s26 =	sshll.u32 s25, $0x7  }
0x2b: {  	s26 =	sadd.s32 s11, s26  }
0x2c: {  	s28 =	smin.u32 s26, $0xC2D0  }
0x2d: {  	s29 =	smul.u32 $0x18, s28;
	_ =	sdelay $0x1  }
0x2e: {  	s31 =	smul.u32 $0x3, s28;
	s29 =	sadd.s32 s4, s29  }
0x2f: {  	[tilespmem:s24], [sflag:$0x1] =	stream.linear.gather [hbm4b:s29+s24], $0x6000, $0x38;
	[tilespmem:$0x6580] =	vst v63  }
0x30: {  	_ =	swait.ge [sflag:s18], $0x6000  }
0x31: {  	s29 =	sshrl.u32 s31, $0x3;
	[sflag:s18] =	ssyncset.done $0x0  }
0x32: {  	s30 =	sadd.s32 s7, s29;
	[sflag:s18] =	ssyncadd.s32 $0xFFFFA000  }
0x33: {  	[tilespmem:s19], [sflag:$0x1] =	stream.linear.gather [hbm4b:s30+s24], $0x180, $0x38;
	[tilespmem:$0x6580] =	vst v63  }
0x34: {  	_ =	swait.ge [sflag:s18], $0x180  }
0x35: {  	[sflag:s18] =	ssyncset.done $0x0  }
0x36: {  	s29 =	sadd.s32 s9, s29;
	[sflag:s18] =	ssyncadd.s32 $0xFFFFFE80  }
0x37: {  	[tilespmem:s20], [sflag:$0x1] =	stream.linear.gather [hbm4b:s29+s24], $0x180, $0x38;
	[tilespmem:$0x6580] =	vst v63  }
0x38: {  	_ =	swait.ge [sflag:s18], $0x180  }
0x39: {  	[sflag:s18] =	ssyncset.done $0x0  }
0x3a: {  	v18 =	vmov s26;
	s26 =	simm.s32 $0x0;
	v17 =	vmov s28;
	[sflag:s18] =	ssyncadd.s32 $0xFFFFFE80  }
.LBB2_11:
0x3b: {  	s28 =	sshll.u32 s26, $0x4  }
0x3c: {  	v19 =	vor.u32 s28, v1  }
0x3d: {  	v20 =	vmul.u32 $0x3, v19;
	_ =	sdelay $0x2  }
0x3e: {  	v21 =	vadd.s32 $0x1, v20  }
0x3f: {  	v22 =	vadd.s32 $0x2, v20;
	_ =	sdelay $0x1  }
0x40: {  	v23 =	vld.idx.msk [tilespmem:v20+s19+$0x0], $0xffff;
	_ =	sdelay $0x1  }
0x41: {  	v27 =	vmul.u32 $0xC0, v19;
	v24 =	vld.idx.msk [tilespmem:v21+s19+$0x0], $0xffff  }
0x42: {  	s28 =	simm.s32 $0x0;
	v25 =	vld.idx.msk [tilespmem:v22+s19+$0x0], $0xffff  }
0x43: {  	v26 =	vadd.s32 s28, v27  }
0x44: {  	v29 =	vadd.s32 $0x1, v26;
	v28 =	vmul.f32 v23, v5  }
0x45: {  	v32 =	vmul.f32 v23, v9;
	v23 =	vmul.f32 v23, v13  }
0x46: {  	v34 =	vadd.s32 $0x2, v26;
	v30 =	vmul.f32 v24, v6;
	v33 =	vmul.f32 v24, v10  }
0x47: {  	v31 =	vmul.f32 v25, v7;
	v24 =	vmul.f32 v24, v14  }
0x48: {  	s28 =	simm.s32 $0x3;
	v62 =	vld.idx.msk [tilespmem:v26+s1+$0x0], $0xffff;
	v61 =	vmul.f32 v25, v11;
	v28 =	vadd.f32 v30, v28;
	v30 =	vadd.f32 v33, v32  }
0x49: {  	v35 =	vadd.s32 s28, v27;
	v29 =	vld.idx.msk [tilespmem:v29+s1+$0x0], $0xffff;
	v23 =	vadd.f32 v24, v23;
	v24 =	vmul.f32 v25, v15  }
0x4a: {  	v25 =	vadd.f32 v31, v28;
	v26 =	vadd.f32 v61, v30;
	v28 =	vadd.s32 $0x1, v35  }
0x4b: {  	v23 =	vadd.f32 v24, v23;
	v30 =	vld.idx.msk [tilespmem:v34+s1+$0x0], $0xffff;
	v31 =	vadd.s32 $0x2, v35  }
0x4c: {  	v25 =	vadd.f32 v25, v8;
	v26 =	vadd.f32 v26, v12  }
0x4d: {  	s28 =	simm.s32 $0x6;
	v24 =	vadd.f32 v23, v16  }
0x4e: {  	v36 =	vadd.s32 s28, v27;
	v35 =	vld.idx.msk [tilespmem:v35+s1+$0x0], $0xffff;
	v23 =	vsub.f32 v62, v25;
	v29 =	vsub.f32 v29, v26  }
0x4f: {  	v32 =	vadd.s32 $0x2, v36;
	v34 =	vadd.s32 $0x1, v36;
	v28 =	vld.idx.msk [tilespmem:v28+s1+$0x0], $0xffff  }
0x50: {  	v63 =	vsub.f32 v30, v24;
	v30 =	vmul.f32 v23, v23;
	v37 =	vmul.f32 v29, v29;
	v29 =	vld.idx.msk [tilespmem:v31+s1+$0x0], $0xffff;
	_ =	sdelay $0x1  }
0x51: {  	v31 =	vmul.f32 v63, v63;
	v30 =	vadd.f32 v37, v30  }
0x52: {  	s28 =	simm.s32 $0x9;
	v33 =	vld.idx.msk [tilespmem:v36+s1+$0x0], $0xffff;
	v35 =	vsub.f32 v35, v25;
	v23 =	vimm.f32 $1.000000020e+30  }
.LBB2_12:
0x53: {  	v36 =	vadd.s32 s28, v27;
	p1 =	sne.s32 s28, $0xBD;
	s28 =	sadd.s32 $0x3, s28;
	v37 =	vsub.f32 v28, v26;
	v28 =	vld.idx.msk [tilespmem:v34+s1+$0x0], $0xffff;
	v30 =	vadd.f32 v31, v30  }
.Ltmp3:
0x54: {  	v31 =	vsub.f32 v29, v24;
	v34 =	vadd.s32 $0x1, v36;
	v29 =	vld.idx.msk [tilespmem:v32+s1+$0x0], $0xffff;
	v32 =	vadd.s32 $0x2, v36;
	(pc) =	sbr.rel @p1 .LBB2_12-.Ltmp3, $3  }
0x55: {  	v35 =	vmul.f32 v35, v35;
	v37 =	vmul.f32 v37, v37;
	v23 =	vmin.f32 v23, v30;
	_ =	sdelay $0x1  }
0x56: {  	v31 =	vmul.f32 v31, v31;
	v30 =	vadd.f32 v37, v35  }
0x57: {  	v35 =	vsub.f32 v33, v25;
	v33 =	vld.idx.msk [tilespmem:v36+s1+$0x0], $0xffff  }
0x58: {  	_ =	sdelay $0x3  }
0x59: {  	v20 =	vld.idx.msk [tilespmem:v20+s20+$0x0], $0xffff  }
0x5a: {  	v21 =	vld.idx.msk [tilespmem:v21+s20+$0x0], $0xffff;
	_ =	sdelay $0x1  }
0x5b: {  	v22 =	vld.idx.msk [tilespmem:v22+s20+$0x0], $0xffff;
	_ =	sdelay $0x2  }
0x5c: {  	v20 =	vsub.f32 v20, v25;
	v21 =	vsub.f32 v21, v26;
	_ =	sdelay $0x1  }
0x5d: {  	v22 =	vsub.f32 v22, v24;
	v20 =	vmul.f32 v20, v20;
	v21 =	vmul.f32 v21, v21;
	_ =	sdelay $0x1  }
0x5e: {  	v53 =	vmul.f32 v22, v22;
	v20 =	vadd.f32 v21, v20;
	_ =	sdelay $0x1  }
0x5f: {  	v20 =	vadd.f32 v53, v20;
	_ =	sdelay $0x1  }
0x60: {  	v21 =	vshra.s32 v20, $0x1;
	v54 =	vmul.f32 $5.000000000e-01, v20  }
0x61: {  	v21 =	vsub.s32 $0x5F3759DF, v21  }
0x62: {  	v27 =	vmul.f32 v21, v54;
	_ =	sdelay $0x1  }
0x63: {  	v27 =	vmul.f32 v21, v27;
	_ =	sdelay $0x1  }
0x64: {  	v27 =	vsub.f32 $1.500000000e+00, v27;
	_ =	sdelay $0x1  }
0x65: {  	v21 =	vmul.f32 v21, v27;
	_ =	sdelay $0x1  }
0x66: {  	v27 =	vmul.f32 v21, v54;
	_ =	sdelay $0x1  }
0x67: {  	v34 =	vld.idx.msk [tilespmem:v34+s1+$0x0], $0xffff;
	v27 =	vmul.f32 v27, v21;
	_ =	sdelay $0x1  }
0x68: {  	v32 =	vld.idx.msk [tilespmem:v32+s1+$0x0], $0xffff;
	v27 =	vsub.f32 $1.500000000e+00, v27;
	_ =	sdelay $0x1  }
0x69: {  	v55 =	vsub.f32 v28, v26;
	v21 =	vmul.f32 v27, v21  }
0x6a: {  	v56 =	vmul.f32 v35, v35;
	v57 =	vsub.f32 v33, v25;
	v58 =	vsub.f32 v34, v26  }
0x6b: {  	v29 =	vsub.f32 v29, v24;
	v27 =	vmul.f32 v55, v55;
	v22 =	vmul.f32 v21, v54  }
0x6c: {  	v59 =	vsub.f32 v32, v24;
	v25 =	vmul.f32 v57, v57;
	v26 =	vmul.f32 v58, v58  }
0x6d: {  	v60 =	vmul.f32 v29, v29;
	v27 =	vadd.f32 v27, v56;
	v22 =	vmul.f32 v22, v21  }
0x6e: {  	v61 =	vadd.f32 v31, v30;
	v24 =	vmul.f32 v59, v59;
	v25 =	vadd.f32 v26, v25  }
0x6f: {  	v62 =	vadd.f32 v60, v27;
	v22 =	vsub.f32 $1.500000000e+00, v22  }
0x70: {  	v23 =	vmin.f32 v23, v61;
	v24 =	vadd.f32 v24, v25  }
0x71: {  	v19 =	vadd.s32 v17, v19;
	s26 =	sadd.s32 $0x1, s26;
	v23 =	vmin.f32 v23, v62;
	v21 =	vmul.f32 v22, v21  }
0x72: {  	vm0 =	vge.u32 v19, v18;
	vm1 =	vlt.u32 v19, v0;
	p1 =	sne.s32 s26, $0x8;
	v63 =	vmin.f32 v23, v24  }
.Ltmp4:
0x73: {  	vm0 =	vmand vm0, vm1;
	vm15 =	vlt.f32 v63, $1.000000000e+00;
	v19 =	vmul.f32 v21, v20;
	(pc) =	sbr.rel @p1 .LBB2_11-.Ltmp4, $4  }
0x74: {  	vm0 =	vmand vm0, vm15  }
0x75: {  	v19 =	vnsel vm0, $0x0, v19  }
0x76: {  	v20 =	vsel vm0, $0x3F800000, v2;
	v4 =	vadd.f32 v19, v4  }
0x77: {  	v3 =	vadd.f32 v20, v3  }
0x78: {  	s25 =	sadd.s32 $0x1, s25  }
0x79: {  	p1 =	sne.s32 s25, $0x19  }
.Ltmp5:
0x7a: {  	_ = 	snop;
	(pc) =	sbr.rel @p1 .LBB2_10-.Ltmp5, $1  }
0x7b: {  	_ =	sdelay $0x3  }
.Ltmp6:
0x7c: {  	(pc) =	sbr.rel .LBB2_16-.Ltmp6, $2  }
0x7d: {  	_ =	sdelay $0x2  }
0x7e: {  	s25 =	smov.u32 s14;
	s24 =	smov.u32 s15  }
.LBB2_2:
0x7f: {  	v5 =	vld [tilespmem:$0x6300]  }
0x80: {  	v6 =	vld [tilespmem:$0x6310]  }
0x81: {  	v7 =	vld [tilespmem:$0x6320]  }
0x82: {  	v8 =	vld [tilespmem:$0x6330]  }
0x83: {  	v9 =	vld [tilespmem:$0x6340]  }
0x84: {  	v10 =	vld [tilespmem:$0x6350]  }
0x85: {  	v11 =	vld [tilespmem:$0x6360]  }
0x86: {  	v12 =	vld [tilespmem:$0x6370]  }
0x87: {  	v13 =	vld [tilespmem:$0x6380]  }
0x88: {  	v14 =	vld [tilespmem:$0x6390]  }
0x89: {  	v15 =	vld [tilespmem:$0x63A0]  }
0x8a: {  	s24 =	simm.s32 $0x0;
	v3 =	vimm.f32 $0.0e+00;
	v16 =	vld [tilespmem:$0x63B0];
	v4 =	vimm.f32 $0.0e+00;
	s25 =	simm.s32 $0x0  }
.LBB2_3:
0x8b: {  	s26 =	sshll.u32 s25, $0x7  }
0x8c: {  	s26 =	sadd.s32 s11, s26  }
0x8d: {  	s28 =	smin.u32 s26, $0xC2D0  }
0x8e: {  	s29 =	smul.u32 $0x18, s28;
	_ =	sdelay $0x1  }
0x8f: {  	s31 =	smul.u32 $0x3, s28;
	s29 =	sadd.s32 s3, s29  }
0x90: {  	[tilespmem:s24], [sflag:$0x1] =	stream.linear.gather [hbm4b:s29+s24], $0x6000, $0x38;
	[tilespmem:$0x6580] =	vst v63  }
0x91: {  	_ =	swait.ge [sflag:s18], $0x6000  }
0x92: {  	s29 =	sshrl.u32 s31, $0x3;
	[sflag:s18] =	ssyncset.done $0x0  }
0x93: {  	s30 =	sadd.s32 s6, s29;
	[sflag:s18] =	ssyncadd.s32 $0xFFFFA000  }
0x94: {  	[tilespmem:s19], [sflag:$0x1] =	stream.linear.gather [hbm4b:s30+s24], $0x180, $0x38;
	[tilespmem:$0x6580] =	vst v63  }
0x95: {  	_ =	swait.ge [sflag:s18], $0x180  }
0x96: {  	[sflag:s18] =	ssyncset.done $0x0  }
0x97: {  	s29 =	sadd.s32 s8, s29;
	[sflag:s18] =	ssyncadd.s32 $0xFFFFFE80  }
0x98: {  	[tilespmem:s20], [sflag:$0x1] =	stream.linear.gather [hbm4b:s29+s24], $0x180, $0x38;
	[tilespmem:$0x6580] =	vst v63  }
0x99: {  	_ =	swait.ge [sflag:s18], $0x180  }
0x9a: {  	[sflag:s18] =	ssyncset.done $0x0  }
0x9b: {  	v18 =	vmov s26;
	s26 =	simm.s32 $0x0;
	v17 =	vmov s28;
	[sflag:s18] =	ssyncadd.s32 $0xFFFFFE80  }
.LBB2_4:
0x9c: {  	s28 =	sshll.u32 s26, $0x4  }
0x9d: {  	v19 =	vor.u32 s28, v1  }
0x9e: {  	v20 =	vmul.u32 $0x3, v19;
	_ =	sdelay $0x2  }
0x9f: {  	v21 =	vadd.s32 $0x1, v20  }
0xa0: {  	v22 =	vadd.s32 $0x2, v20;
	_ =	sdelay $0x1  }
0xa1: {  	v23 =	vld.idx.msk [tilespmem:v20+s19+$0x0], $0xffff;
	_ =	sdelay $0x1  }
0xa2: {  	v27 =	vmul.u32 $0xC0, v19;
	v24 =	vld.idx.msk [tilespmem:v21+s19+$0x0], $0xffff  }
0xa3: {  	s28 =	simm.s32 $0x0;
	v25 =	vld.idx.msk [tilespmem:v22+s19+$0x0], $0xffff  }
0xa4: {  	v26 =	vadd.s32 s28, v27  }
0xa5: {  	v29 =	vadd.s32 $0x1, v26;
	v28 =	vmul.f32 v23, v5  }
0xa6: {  	v32 =	vmul.f32 v23, v9;
	v23 =	vmul.f32 v23, v13  }
0xa7: {  	v34 =	vadd.s32 $0x2, v26;
	v30 =	vmul.f32 v24, v6;
	v33 =	vmul.f32 v24, v10  }
0xa8: {  	v31 =	vmul.f32 v25, v7;
	v24 =	vmul.f32 v24, v14  }
0xa9: {  	s28 =	simm.s32 $0x3;
	v62 =	vld.idx.msk [tilespmem:v26+s1+$0x0], $0xffff;
	v61 =	vmul.f32 v25, v11;
	v28 =	vadd.f32 v30, v28;
	v30 =	vadd.f32 v33, v32  }
0xaa: {  	v35 =	vadd.s32 s28, v27;
	v29 =	vld.idx.msk [tilespmem:v29+s1+$0x0], $0xffff;
	v23 =	vadd.f32 v24, v23;
	v24 =	vmul.f32 v25, v15  }
0xab: {  	v25 =	vadd.f32 v31, v28;
	v26 =	vadd.f32 v61, v30;
	v28 =	vadd.s32 $0x1, v35  }
0xac: {  	v23 =	vadd.f32 v24, v23;
	v30 =	vld.idx.msk [tilespmem:v34+s1+$0x0], $0xffff;
	v31 =	vadd.s32 $0x2, v35  }
0xad: {  	v25 =	vadd.f32 v25, v8;
	v26 =	vadd.f32 v26, v12  }
0xae: {  	s28 =	simm.s32 $0x6;
	v24 =	vadd.f32 v23, v16  }
0xaf: {  	v36 =	vadd.s32 s28, v27;
	v35 =	vld.idx.msk [tilespmem:v35+s1+$0x0], $0xffff;
	v23 =	vsub.f32 v62, v25;
	v29 =	vsub.f32 v29, v26  }
0xb0: {  	v32 =	vadd.s32 $0x2, v36;
	v34 =	vadd.s32 $0x1, v36;
	v28 =	vld.idx.msk [tilespmem:v28+s1+$0x0], $0xffff  }
0xb1: {  	v63 =	vsub.f32 v30, v24;
	v30 =	vmul.f32 v23, v23;
	v37 =	vmul.f32 v29, v29;
	v29 =	vld.idx.msk [tilespmem:v31+s1+$0x0], $0xffff;
	_ =	sdelay $0x1  }
0xb2: {  	v31 =	vmul.f32 v63, v63;
	v30 =	vadd.f32 v37, v30  }
0xb3: {  	s28 =	simm.s32 $0x9;
	v33 =	vld.idx.msk [tilespmem:v36+s1+$0x0], $0xffff;
	v35 =	vsub.f32 v35, v25;
	v23 =	vimm.f32 $1.000000020e+30  }
.LBB2_5:
0xb4: {  	v36 =	vadd.s32 s28, v27;
	p1 =	sne.s32 s28, $0xBD;
	s28 =	sadd.s32 $0x3, s28;
	v37 =	vsub.f32 v28, v26;
	v28 =	vld.idx.msk [tilespmem:v34+s1+$0x0], $0xffff;
	v30 =	vadd.f32 v31, v30  }
.Ltmp7:
0xb5: {  	v31 =	vsub.f32 v29, v24;
	v34 =	vadd.s32 $0x1, v36;
	v29 =	vld.idx.msk [tilespmem:v32+s1+$0x0], $0xffff;
	v32 =	vadd.s32 $0x2, v36;
	(pc) =	sbr.rel @p1 .LBB2_5-.Ltmp7, $3  }
0xb6: {  	v35 =	vmul.f32 v35, v35;
	v37 =	vmul.f32 v37, v37;
	v23 =	vmin.f32 v23, v30;
	_ =	sdelay $0x1  }
0xb7: {  	v31 =	vmul.f32 v31, v31;
	v30 =	vadd.f32 v37, v35  }
0xb8: {  	v35 =	vsub.f32 v33, v25;
	v33 =	vld.idx.msk [tilespmem:v36+s1+$0x0], $0xffff  }
0xb9: {  	_ =	sdelay $0x3  }
0xba: {  	v20 =	vld.idx.msk [tilespmem:v20+s20+$0x0], $0xffff  }
0xbb: {  	v21 =	vld.idx.msk [tilespmem:v21+s20+$0x0], $0xffff;
	_ =	sdelay $0x1  }
0xbc: {  	v22 =	vld.idx.msk [tilespmem:v22+s20+$0x0], $0xffff;
	_ =	sdelay $0x2  }
0xbd: {  	v20 =	vsub.f32 v20, v25;
	v21 =	vsub.f32 v21, v26;
	_ =	sdelay $0x1  }
0xbe: {  	v22 =	vsub.f32 v22, v24;
	v20 =	vmul.f32 v20, v20;
	v21 =	vmul.f32 v21, v21;
	_ =	sdelay $0x1  }
0xbf: {  	v53 =	vmul.f32 v22, v22;
	v20 =	vadd.f32 v21, v20;
	_ =	sdelay $0x1  }
0xc0: {  	v20 =	vadd.f32 v53, v20;
	_ =	sdelay $0x1  }
0xc1: {  	v21 =	vshra.s32 v20, $0x1;
	v54 =	vmul.f32 $5.000000000e-01, v20  }
0xc2: {  	v21 =	vsub.s32 $0x5F3759DF, v21  }
0xc3: {  	v27 =	vmul.f32 v21, v54;
	_ =	sdelay $0x1  }
0xc4: {  	v27 =	vmul.f32 v21, v27;
	_ =	sdelay $0x1  }
0xc5: {  	v27 =	vsub.f32 $1.500000000e+00, v27;
	_ =	sdelay $0x1  }
0xc6: {  	v21 =	vmul.f32 v21, v27;
	_ =	sdelay $0x1  }
0xc7: {  	v27 =	vmul.f32 v21, v54;
	_ =	sdelay $0x1  }
0xc8: {  	v34 =	vld.idx.msk [tilespmem:v34+s1+$0x0], $0xffff;
	v27 =	vmul.f32 v27, v21;
	_ =	sdelay $0x1  }
0xc9: {  	v32 =	vld.idx.msk [tilespmem:v32+s1+$0x0], $0xffff;
	v27 =	vsub.f32 $1.500000000e+00, v27;
	_ =	sdelay $0x1  }
0xca: {  	v55 =	vsub.f32 v28, v26;
	v21 =	vmul.f32 v27, v21  }
0xcb: {  	v56 =	vmul.f32 v35, v35;
	v57 =	vsub.f32 v33, v25;
	v58 =	vsub.f32 v34, v26  }
0xcc: {  	v29 =	vsub.f32 v29, v24;
	v27 =	vmul.f32 v55, v55;
	v22 =	vmul.f32 v21, v54  }
0xcd: {  	v59 =	vsub.f32 v32, v24;
	v25 =	vmul.f32 v57, v57;
	v26 =	vmul.f32 v58, v58  }
0xce: {  	v60 =	vmul.f32 v29, v29;
	v27 =	vadd.f32 v27, v56;
	v22 =	vmul.f32 v22, v21  }
0xcf: {  	v61 =	vadd.f32 v31, v30;
	v24 =	vmul.f32 v59, v59;
	v25 =	vadd.f32 v26, v25  }
0xd0: {  	v62 =	vadd.f32 v60, v27;
	v22 =	vsub.f32 $1.500000000e+00, v22  }
0xd1: {  	v23 =	vmin.f32 v23, v61;
	v24 =	vadd.f32 v24, v25  }
0xd2: {  	v19 =	vadd.s32 v17, v19;
	s26 =	sadd.s32 $0x1, s26;
	v23 =	vmin.f32 v23, v62;
	v21 =	vmul.f32 v22, v21  }
0xd3: {  	vm0 =	vge.u32 v19, v18;
	vm1 =	vlt.u32 v19, v0;
	p1 =	sne.s32 s26, $0x8;
	v63 =	vmin.f32 v23, v24  }
.Ltmp8:
0xd4: {  	vm0 =	vmand vm0, vm1;
	vm15 =	vlt.f32 v63, $1.000000000e+00;
	v19 =	vmul.f32 v21, v20;
	(pc) =	sbr.rel @p1 .LBB2_4-.Ltmp8, $4  }
0xd5: {  	vm0 =	vmand vm0, vm15  }
0xd6: {  	v19 =	vnsel vm0, $0x0, v19  }
0xd7: {  	v20 =	vsel vm0, $0x3F800000, v2;
	v4 =	vadd.f32 v19, v4  }
0xd8: {  	v3 =	vadd.f32 v20, v3  }
0xd9: {  	s25 =	sadd.s32 $0x1, s25  }
0xda: {  	p1 =	seq.s32 s25, $0x19  }
.Ltmp9:
0xdb: {  	_ = 	snop;
	(pc) =	sbr.rel @!p1 .LBB2_3-.Ltmp9, $1  }
0xdc: {  	_ =	sdelay $0x3  }
.Ltmp10:
0xdd: {  	(pc) =	sbr.rel .LBB2_16-.Ltmp10, $2  }
0xde: {  	_ =	sdelay $0x2  }
0xdf: {  	s25 =	smov.u32 s12;
	s24 =	smov.u32 s13  }
.LBB2_17:
0xe0: {  	_ =	sfence.sel $0x180000  }
0xe1: {  	[bflag:$0x0] =	sbarrier.arrive $0xFFFF  }
0xe2: {  	p0 =	sne.s32 s5, $0x0;
	_ =	strace $0x90000047  }
0xe3: {  	s0 =	sadd.s32 @!p0 $0x100000, s0;
	[bflag:$0x2] =	sbarrier.arrive $0xFFFF  }
0xe4: {  	[sflag:s0] =	ssyncadd.tile.s32 @!p0 $0x1;
	_ =	shalt  }
.Lfunc_end2:
_tile_overlayer_lowered:
.L_overlay_start_2:
0xe5: {  	(tag) =	ssettag $0x2  }
0xe6: {  	s0 =	rddreg [dreg:$0x0];
	s2 =	stileid.u32  }
0xe7: {  	s1 =	rddreg [dreg:$0x1];
	p0 =	sne.s32 s2, $0x0  }
0xe8: {  	s3 =	rddreg [dreg:$0x2];
	[bflag:$0x3] =	sbarrier.arrive $0xFFFF;
	s2 =	simm.s32 @!p0 $0x1C01  }
0xe9: {  	[timem:s3], [sflag:s2] =	dma.local @!p0 [hbm:s0], s1  }
0xea: {  	s0 =	simm.s32 @!p0 $0x1  }
0xeb: {  	_ =	swait.ge @!p0 [sflag:s0], s1  }
0xec: {  	s1 =	ssub.s32 @!p0 $0x0, s1;
	[sflag:s0] =	ssyncset.done @!p0 $0x0  }
0xed: {  	[sflag:s0] =	ssyncadd.s32 @!p0 s1  }
0xee: {  	[bflag:$0x3] =	sbarrier.arrive $0xFFFF  }
0xef: {  	_ =	shalt  }

</sc_bundles>
